<compile_context>
chip_gen: v7x
topology: tpu7x:2x2x1
jax: 0.10.2.dev20260603
libtpu: 0.0.44.dev20260713+nightly
codegen_flags: <defaults>
</compile_context>

<pallas_src>
import jax
import jax.numpy as jnp
from jax import lax
from jax.experimental import pallas as pl
from jax.experimental.pallas import tpu as pltpu
from jax.experimental.pallas import tpu_sc as plsc

N_NODES = 10000
NP = 10240
E = 320000
D = 128
CH = 128
NC, NS = 2, 16
NW = NC * NS
CPT = 80
NCHP = NW * CPT
EPAD = NCHP * CH
RPT = NP // NS
NB = 2
NQ = 2
HCPT = CPT // NQ

_MESH = plsc.VectorSubcoreMesh(core_axis_name="c", subcore_axis_name="s")
_SC_PARAMS = pltpu.CompilerParams(needs_layout_passes=False)


def _worker_id():
    cid = lax.axis_index("c")
    sid = lax.axis_index("s")
    return cid, sid, sid * NC + cid


def _degree_body(sidx_hbm, ridx_hbm, out_hbm, sh, rh, sbuf, rbuf):
    _, _, wid = _worker_id()

    def zero_body(i, _):
        sh[pl.ds(i * 16, 16)] = jnp.zeros((16,), jnp.float32)
        rh[pl.ds(i * 16, 16)] = jnp.zeros((16,), jnp.float32)
        return 0

    lax.fori_loop(0, NP // 16, zero_body, 0)

    pltpu.sync_copy(sidx_hbm.at[pl.ds(wid * CPT, CPT)], sbuf)
    pltpu.sync_copy(ridx_hbm.at[pl.ds(wid * CPT, CPT)], rbuf)

    ones = jnp.ones((16,), jnp.float32)

    def chunk_body(j, _):
        for k in range(CH // 16):
            plsc.addupdate_scatter(sh, [sbuf[j, pl.ds(k * 16, 16)]], ones)
            plsc.addupdate_scatter(rh, [rbuf[j, pl.ds(k * 16, 16)]], ones)
        return 0

    lax.fori_loop(0, CPT, chunk_body, 0)

    pltpu.sync_copy(sh, out_hbm.at[0, wid])
    pltpu.sync_copy(rh, out_hbm.at[1, wid])


_degree_call = pl.kernel(
    _degree_body,
    out_type=jax.ShapeDtypeStruct((2, NW, NP), jnp.float32),
    mesh=_MESH,
    compiler_params=_SC_PARAMS,
    scratch_types=[
        pltpu.VMEM((NP,), jnp.float32),
        pltpu.VMEM((NP,), jnp.float32),
        pltpu.VMEM((CPT, CH), jnp.int32),
        pltpu.VMEM((CPT, CH), jnp.int32),
    ],
)


BM = 5120


def _mm_body(x_ref, w_ref, b_ref, out_ref):
    out_ref[...] = jnp.dot(x_ref[...], w_ref[...],
                           preferred_element_type=jnp.float32) + b_ref[...]


def _mm_call(x, W, b):
    return pl.pallas_call(
        _mm_body,
        grid=(NP // BM,),
        in_specs=[
            pl.BlockSpec((BM, D), lambda m: (m, 0)),
            pl.BlockSpec((D, D), lambda m: (0, 0)),
            pl.BlockSpec((D,), lambda m: (0,)),
        ],
        out_specs=pl.BlockSpec((BM, D), lambda m: (m, 0)),
        out_shape=jax.ShapeDtypeStruct((NP, D), jnp.float32),
    )(x, W, b)


def _scale_body(n_ref, degs_ref, out_ref):
    sdeg = jnp.sum(degs_ref[0], axis=0)
    sinv = lax.rsqrt(jnp.maximum(sdeg, 1.0))
    out_ref[...] = n_ref[...] * sinv[:, None]


def _scale_call(nodes, degs):
    return pl.pallas_call(
        _scale_body,
        grid=(NP // BM,),
        in_specs=[
            pl.BlockSpec((BM, D), lambda m: (m, 0)),
            pl.BlockSpec((1, NW, BM), lambda m: (0, 0, m)),
        ],
        out_specs=pl.BlockSpec((BM, D), lambda m: (m, 0)),
        out_shape=jax.ShapeDtypeStruct((NP, D), jnp.float32),
    )(nodes, degs)


def _agg_body(table_hbm, sidx_hbm, ridx_hbm, out_hbm,
              sidx_v, ridx_v, rows_v, gsem, ssem, acc):
    cid, sid, wid = _worker_id()

    def zrow_body(r, _):
        for k in range(D // 16):
            rows_v[0, r, pl.ds(k * 16, 16)] = jnp.zeros((16,), jnp.float32)
        return 0

    lax.fori_loop(0, CH, zrow_body, 0)
    for i in range(RPT // CH):
        pltpu.sync_copy(rows_v.at[0], acc.at[pl.ds(sid * RPT + i * CH, CH)])
    plsc.subcore_barrier()

    for h in range(NQ):
        base = wid * CPT + h * HCPT
        pltpu.sync_copy(sidx_hbm.at[pl.ds(base, HCPT)], sidx_v)
        pltpu.sync_copy(ridx_hbm.at[pl.ds(base, HCPT)], ridx_v)

        for b in range(NB):
            pltpu.async_copy(table_hbm.at[sidx_v.at[b]], rows_v.at[b],
                             gsem.at[b])

        def pipe_body(q, _):
            for b in range(NB):
                j = q * NB + b
                pltpu.make_async_copy(table_hbm.at[sidx_v.at[j]],
                                      rows_v.at[b], gsem.at[b]).wait()
                pltpu.sync_copy(rows_v.at[b], acc.at[ridx_v.at[j]], add=True)
                nxt = j + NB

                @pl.when(nxt < HCPT)
                def _():
                    pltpu.async_copy(table_hbm.at[sidx_v.at[nxt]],
                                     rows_v.at[b], gsem.at[b])
            return 0

        lax.fori_loop(0, HCPT // NB, pipe_body, 0)
    plsc.subcore_barrier()

    pltpu.sync_copy(acc.at[pl.ds(sid * RPT, RPT)],
                    out_hbm.at[cid, pl.ds(sid * RPT, RPT)])


_agg_call = pl.kernel(
    _agg_body,
    out_type=jax.ShapeDtypeStruct((NC, NP, D), jnp.float32),
    mesh=_MESH,
    compiler_params=_SC_PARAMS,
    scratch_types=[
        pltpu.VMEM((HCPT, CH), jnp.int32),
        pltpu.VMEM((HCPT, CH), jnp.int32),
        pltpu.VMEM((NB, CH, D), jnp.float32),
        pltpu.SemaphoreType.DMA((NB,)),
        pltpu.SemaphoreType.DMA((NB,)),
        pltpu.VMEM_SHARED((NP, D), jnp.float32),
    ],
)


def _fin_body(p_ref, degs_ref, o_ref):
    s = p_ref[0] + p_ref[1]
    rdeg = jnp.sum(degs_ref[0], axis=0)
    rinv = lax.rsqrt(jnp.maximum(rdeg, 1.0))
    o_ref[...] = s * rinv[:, None]


def _fin_call(partial, degs):
    return pl.pallas_call(
        _fin_body,
        grid=(NP // BM,),
        in_specs=[
            pl.BlockSpec((NC, BM, D), lambda m: (0, m, 0)),
            pl.BlockSpec((1, NW, BM), lambda m: (1, 0, m)),
        ],
        out_specs=pl.BlockSpec((BM, D), lambda m: (m, 0)),
        out_shape=jax.ShapeDtypeStruct((N_NODES, D), jnp.float32),
    )(partial, degs)


def kernel(x, edge_index, W, b):
    pad = jnp.tile(N_NODES + (jnp.arange(EPAD - E, dtype=jnp.int32)
                              % (NP - N_NODES))[None, :], (2, 1))
    ei = jnp.concatenate([edge_index, pad], axis=1)
    senders = ei[0].reshape(NCHP, CH)
    receivers = ei[1].reshape(NCHP, CH)

    degs = _degree_call(senders, receivers)
    nodes = _mm_call(x, W, b)
    table = _scale_call(nodes, degs)
    partial = _agg_call(table, senders, receivers)
    return _fin_call(partial, degs)

# --- scband reference (transcript-rebuilt; emitter-appended) ---
"""Pipeline reference for scband-gcn-51367808860521 (READ-ONLY COPY).

The authoritative reference and input builder live on the scoring server;
editing this copy changes nothing except your own understanding.
"""

import jax, jax.numpy as jnp
import numpy as np

N_NODES = 10000
N_EDGES = 320000
D_FEAT = 128
EMBED_DIM = 128


def setup_inputs(seed: int = 0) -> dict:
    key = jax.random.key(seed)
    k1, k2, k3 = jax.random.split(key, 3)
    x = jax.random.normal(k1, (N_NODES, D_FEAT), dtype=jnp.float32)
    edge_index = jax.random.randint(k2, (2, N_EDGES), 0, N_NODES, dtype=jnp.int32)
    # Dense(embed_dim) params (flax default: lecun_normal kernel, zeros bias)
    W = jax.random.normal(k3, (D_FEAT, EMBED_DIM), dtype=jnp.float32) / np.sqrt(D_FEAT)
    b = jnp.zeros((EMBED_DIM,), dtype=jnp.float32)
    return {"x": x, "edge_index": edge_index, "W": W, "b": b}


def reference(x, edge_index, W, b):
    # jraph.GraphConvolution with update_node_fn = Dense(embed_dim),
    # aggregate_nodes_fn = segment_sum, add_self_edges=False,
    # symmetric_normalization=True
    senders = edge_index[0]
    receivers = edge_index[1]
    total_num_nodes = x.shape[0]

    # update_node_fn: Dense
    nodes = x @ W + b

    # symmetric normalization: D_s^{-1/2} A D_r^{-1/2}
    ones = jnp.ones((senders.shape[0],), dtype=jnp.float32)
    sender_degree = jax.ops.segment_sum(ones, senders, num_segments=total_num_nodes)
    receiver_degree = jax.ops.segment_sum(ones, receivers, num_segments=total_num_nodes)

    nodes = nodes * jax.lax.rsqrt(jnp.maximum(sender_degree, 1.0))[:, None]
    # gather along senders, scatter-add into receivers
    nodes = jax.ops.segment_sum(nodes[senders], receivers, num_segments=total_num_nodes)
    nodes = nodes * jax.lax.rsqrt(jnp.maximum(receiver_degree, 1.0))[:, None]
    return nodes

if __name__ == "__main__":
    import jax
    _d = setup_inputs()
    print(jax.jit(kernel)(*tuple(_d.values())))

</pallas_src>

<mosaic_0001>
#map = affine_map<(d0, d1) -> (0, 0)>
#map1 = affine_map<(d0, d1) -> (0, 0, 0)>
module attributes {stable_mosaic.version = 14 : i64} {
  func.func @_degree_body(%arg0: i32, %arg1: i32, %arg2: memref<2560x128xi32, #tpu.memory_space<hbm>>, %arg3: memref<2560x128xi32, #tpu.memory_space<hbm>>, %arg4: memref<2x32x10240xf32, #tpu.memory_space<hbm>>, %arg5: memref<10240xf32, #tpu.memory_space<vmem>>, %arg6: memref<10240xf32, #tpu.memory_space<vmem>>, %arg7: memref<80x128xi32, #tpu.memory_space<vmem>>, %arg8: memref<80x128xi32, #tpu.memory_space<vmem>>) attributes {dimension_semantics = [#tpu.dimension_semantics<core_parallel>, #tpu.dimension_semantics<subcore_parallel>], iteration_bounds = array<i64: 2, 16>, scalar_prefetch = 0 : i64, scratch_operands = 4 : i64, tpu.core_type = #tpu.core_type<sc_vector_subcore>, window_params = [{transform_indices = #map}, {transform_indices = #map}, {transform_indices = #map1}]} {
    %mul3A = arith.constant 2 : i32
    %mul3A_0 = arith.muli %arg1, %mul3A : i32
    %add3A = arith.addi %mul3A_0, %arg0 : i32
    %scan3A = arith.constant 0 : i32
    %scan3A_1 = arith.constant 0 : i32
    %scan3A_2 = arith.constant 640 : i32
    %scan3A_3 = arith.addi %scan3A_1, %scan3A_2 : i32
    %scan3A_4 = arith.constant 1 : i32
    %scan3A_5 = scf.for %scan3A_20 = %scan3A_1 to %scan3A_3 step %scan3A_4 iter_args(%scan3A_21 = %scan3A) -> (i32)  : i32 {
      %broadcast_in_dim3A_22 = arith.constant 0.000000e+00 : f32
      %broadcast_in_dim3A_23 = vector.broadcast %broadcast_in_dim3A_22 : f32 to vector<16xf32>
      %mul3A_24 = arith.constant 16 : i32
      %mul3A_25 = arith.muli %scan3A_20, %mul3A_24 : i32
      %swap3A = arith.index_cast %mul3A_25 : i32 to index
      %swap3A_26 = tpu.vector_load %arg5[%swap3A] {strides = array<i32>} : memref<10240xf32, #tpu.memory_space<vmem>>, vector<16xf32>,
      tpu.vector_store %arg5[%swap3A], %broadcast_in_dim3A_23 {strides = array<i32>} : memref<10240xf32, #tpu.memory_space<vmem>>, vector<16xf32>,
      %broadcast_in_dim3A_27 = arith.constant 0.000000e+00 : f32
      %broadcast_in_dim3A_28 = vector.broadcast %broadcast_in_dim3A_27 : f32 to vector<16xf32>
      %mul3A_29 = arith.constant 16 : i32
      %mul3A_30 = arith.muli %scan3A_20, %mul3A_29 : i32
      %swap3A_31 = arith.index_cast %mul3A_30 : i32 to index
      %swap3A_32 = tpu.vector_load %arg6[%swap3A_31] {strides = array<i32>} : memref<10240xf32, #tpu.memory_space<vmem>>, vector<16xf32>,
      tpu.vector_store %arg6[%swap3A_31], %broadcast_in_dim3A_28 {strides = array<i32>} : memref<10240xf32, #tpu.memory_space<vmem>>, vector<16xf32>,
      %scan3A_33 = arith.constant 0 : i32
      scf.yield %scan3A_33 : i32
    }
    %scan3A_6 = arith.constant 640 : i32
    %mul3A_7 = arith.constant 80 : i32
    %mul3A_8 = arith.muli %add3A, %mul3A_7 : i32
    "tpu.region"() ({
      %run_scoped3A_20 = tpu.sem_alloc : memref<!tpu.dma_semaphore, #tpu.memory_space<semaphore_mem>>
      %dma_start3A = arith.constant 0 : i32
      %dma_start3A_21 = tpu.memref_slice %arg2[%mul3A_8, %dma_start3A] : memref<2560x128xi32, #tpu.memory_space<hbm>> -> memref<80x128xi32, #tpu.memory_space<hbm>>
      %dma_start3A_22 = arith.constant 0 : i32
      %dma_start3A_23 = tpu.memref_slice %arg2[%mul3A_8, %dma_start3A_22] : memref<2560x128xi32, #tpu.memory_space<hbm>> -> memref<80x128xi32, #tpu.memory_space<hbm>>
      tpu.enqueue_dma source(%dma_start3A_23 : memref<80x128xi32, #tpu.memory_space<hbm>>) target(%arg7 : memref<80x128xi32, #tpu.memory_space<vmem>>) target_semaphore(%run_scoped3A_20 : memref<!tpu.dma_semaphore, #tpu.memory_space<semaphore_mem>>)
      %dma_wait3A = arith.constant 0 : i32
      %dma_wait3A_24 = tpu.memref_slice %arg2[%mul3A_8, %dma_wait3A] : memref<2560x128xi32, #tpu.memory_space<hbm>> -> memref<80x128xi32, #tpu.memory_space<hbm>>
      %dma_wait3A_25 = arith.constant 0 : i32
      %dma_wait3A_26 = tpu.memref_slice %arg2[%mul3A_8, %dma_wait3A_25] : memref<2560x128xi32, #tpu.memory_space<hbm>> -> memref<80x128xi32, #tpu.memory_space<hbm>>
      tpu.wait_dma2 semaphore(%run_scoped3A_20 : memref<!tpu.dma_semaphore, #tpu.memory_space<semaphore_mem>>) src(%dma_wait3A_26 : memref<80x128xi32, #tpu.memory_space<hbm>>) dst(%arg7 : memref<80x128xi32, #tpu.memory_space<vmem>>)
      tpu.yield
    }) : () -> ()
    %mul3A_9 = arith.constant 80 : i32
    %mul3A_10 = arith.muli %add3A, %mul3A_9 : i32
    "tpu.region"() ({
      %run_scoped3A_20 = tpu.sem_alloc : memref<!tpu.dma_semaphore, #tpu.memory_space<semaphore_mem>>
      %dma_start3A = arith.constant 0 : i32
      %dma_start3A_21 = tpu.memref_slice %arg3[%mul3A_10, %dma_start3A] : memref<2560x128xi32, #tpu.memory_space<hbm>> -> memref<80x128xi32, #tpu.memory_space<hbm>>
      %dma_start3A_22 = arith.constant 0 : i32
      %dma_start3A_23 = tpu.memref_slice %arg3[%mul3A_10, %dma_start3A_22] : memref<2560x128xi32, #tpu.memory_space<hbm>> -> memref<80x128xi32, #tpu.memory_space<hbm>>
      tpu.enqueue_dma source(%dma_start3A_23 : memref<80x128xi32, #tpu.memory_space<hbm>>) target(%arg8 : memref<80x128xi32, #tpu.memory_space<vmem>>) target_semaphore(%run_scoped3A_20 : memref<!tpu.dma_semaphore, #tpu.memory_space<semaphore_mem>>)
      %dma_wait3A = arith.constant 0 : i32
      %dma_wait3A_24 = tpu.memref_slice %arg3[%mul3A_10, %dma_wait3A] : memref<2560x128xi32, #tpu.memory_space<hbm>> -> memref<80x128xi32, #tpu.memory_space<hbm>>
      %dma_wait3A_25 = arith.constant 0 : i32
      %dma_wait3A_26 = tpu.memref_slice %arg3[%mul3A_10, %dma_wait3A_25] : memref<2560x128xi32, #tpu.memory_space<hbm>> -> memref<80x128xi32, #tpu.memory_space<hbm>>
      tpu.wait_dma2 semaphore(%run_scoped3A_20 : memref<!tpu.dma_semaphore, #tpu.memory_space<semaphore_mem>>) src(%dma_wait3A_26 : memref<80x128xi32, #tpu.memory_space<hbm>>) dst(%arg8 : memref<80x128xi32, #tpu.memory_space<vmem>>)
      tpu.yield
    }) : () -> ()
    %broadcast_in_dim3A = arith.constant 1.000000e+00 : f32
    %broadcast_in_dim3A_11 = vector.broadcast %broadcast_in_dim3A : f32 to vector<16xf32>
    %scan3A_12 = arith.constant 0 : i32
    %scan3A_13 = arith.constant 0 : i32
    %scan3A_14 = arith.constant 80 : i32
    %scan3A_15 = arith.addi %scan3A_13, %scan3A_14 : i32
    %scan3A_16 = arith.constant 1 : i32
    %scan3A_17 = scf.for %scan3A_20 = %scan3A_13 to %scan3A_15 step %scan3A_16 iter_args(%scan3A_21 = %scan3A_12) -> (i32)  : i32 {
      %get3A = arith.index_cast %scan3A_20 : i32 to index
      %get3A_22 = arith.constant 0 : index
      %get3A_23 = tpu.vector_load %arg7[%get3A, %get3A_22] {strides = array<i32>} : memref<80x128xi32, #tpu.memory_space<vmem>>, vector<16xi32>,
      tpu.vector_store_idx %arg5[%get3A_23], %broadcast_in_dim3A_11 {add = true} : memref<10240xf32, #tpu.memory_space<vmem>>[vector<16xi32>], vector<16xf32>,
      %get3A_24 = arith.index_cast %scan3A_20 : i32 to index
      %get3A_25 = arith.constant 0 : index
      %get3A_26 = tpu.vector_load %arg8[%get3A_24, %get3A_25] {strides = array<i32>} : memref<80x128xi32, #tpu.memory_space<vmem>>, vector<16xi32>,
      tpu.vector_store_idx %arg6[%get3A_26], %broadcast_in_dim3A_11 {add = true} : memref<10240xf32, #tpu.memory_space<vmem>>[vector<16xi32>], vector<16xf32>,
      %get3A_27 = arith.index_cast %scan3A_20 : i32 to index
      %get3A_28 = arith.constant 16 : index
      %get3A_29 = tpu.vector_load %arg7[%get3A_27, %get3A_28] {strides = array<i32>} : memref<80x128xi32, #tpu.memory_space<vmem>>, vector<16xi32>,
      tpu.vector_store_idx %arg5[%get3A_29], %broadcast_in_dim3A_11 {add = true} : memref<10240xf32, #tpu.memory_space<vmem>>[vector<16xi32>], vector<16xf32>,
      %get3A_30 = arith.index_cast %scan3A_20 : i32 to index
      %get3A_31 = arith.constant 16 : index
      %get3A_32 = tpu.vector_load %arg8[%get3A_30, %get3A_31] {strides = array<i32>} : memref<80x128xi32, #tpu.memory_space<vmem>>, vector<16xi32>,
      tpu.vector_store_idx %arg6[%get3A_32], %broadcast_in_dim3A_11 {add = true} : memref<10240xf32, #tpu.memory_space<vmem>>[vector<16xi32>], vector<16xf32>,
      %get3A_33 = arith.index_cast %scan3A_20 : i32 to index
      %get3A_34 = arith.constant 32 : index
      %get3A_35 = tpu.vector_load %arg7[%get3A_33, %get3A_34] {strides = array<i32>} : memref<80x128xi32, #tpu.memory_space<vmem>>, vector<16xi32>,
      tpu.vector_store_idx %arg5[%get3A_35], %broadcast_in_dim3A_11 {add = true} : memref<10240xf32, #tpu.memory_space<vmem>>[vector<16xi32>], vector<16xf32>,
      %get3A_36 = arith.index_cast %scan3A_20 : i32 to index
      %get3A_37 = arith.constant 32 : index
      %get3A_38 = tpu.vector_load %arg8[%get3A_36, %get3A_37] {strides = array<i32>} : memref<80x128xi32, #tpu.memory_space<vmem>>, vector<16xi32>,
      tpu.vector_store_idx %arg6[%get3A_38], %broadcast_in_dim3A_11 {add = true} : memref<10240xf32, #tpu.memory_space<vmem>>[vector<16xi32>], vector<16xf32>,
      %get3A_39 = arith.index_cast %scan3A_20 : i32 to index
      %get3A_40 = arith.constant 48 : index
      %get3A_41 = tpu.vector_load %arg7[%get3A_39, %get3A_40] {strides = array<i32>} : memref<80x128xi32, #tpu.memory_space<vmem>>, vector<16xi32>,
      tpu.vector_store_idx %arg5[%get3A_41], %broadcast_in_dim3A_11 {add = true} : memref<10240xf32, #tpu.memory_space<vmem>>[vector<16xi32>], vector<16xf32>,
      %get3A_42 = arith.index_cast %scan3A_20 : i32 to index
      %get3A_43 = arith.constant 48 : index
      %get3A_44 = tpu.vector_load %arg8[%get3A_42, %get3A_43] {strides = array<i32>} : memref<80x128xi32, #tpu.memory_space<vmem>>, vector<16xi32>,
      tpu.vector_store_idx %arg6[%get3A_44], %broadcast_in_dim3A_11 {add = true} : memref<10240xf32, #tpu.memory_space<vmem>>[vector<16xi32>], vector<16xf32>,
      %get3A_45 = arith.index_cast %scan3A_20 : i32 to index
      %get3A_46 = arith.constant 64 : index
      %get3A_47 = tpu.vector_load %arg7[%get3A_45, %get3A_46] {strides = array<i32>} : memref<80x128xi32, #tpu.memory_space<vmem>>, vector<16xi32>,
      tpu.vector_store_idx %arg5[%get3A_47], %broadcast_in_dim3A_11 {add = true} : memref<10240xf32, #tpu.memory_space<vmem>>[vector<16xi32>], vector<16xf32>,
      %get3A_48 = arith.index_cast %scan3A_20 : i32 to index
      %get3A_49 = arith.constant 64 : index
      %get3A_50 = tpu.vector_load %arg8[%get3A_48, %get3A_49] {strides = array<i32>} : memref<80x128xi32, #tpu.memory_space<vmem>>, vector<16xi32>,
      tpu.vector_store_idx %arg6[%get3A_50], %broadcast_in_dim3A_11 {add = true} : memref<10240xf32, #tpu.memory_space<vmem>>[vector<16xi32>], vector<16xf32>,
      %get3A_51 = arith.index_cast %scan3A_20 : i32 to index
      %get3A_52 = arith.constant 80 : index
      %get3A_53 = tpu.vector_load %arg7[%get3A_51, %get3A_52] {strides = array<i32>} : memref<80x128xi32, #tpu.memory_space<vmem>>, vector<16xi32>,
      tpu.vector_store_idx %arg5[%get3A_53], %broadcast_in_dim3A_11 {add = true} : memref<10240xf32, #tpu.memory_space<vmem>>[vector<16xi32>], vector<16xf32>,
      %get3A_54 = arith.index_cast %scan3A_20 : i32 to index
      %get3A_55 = arith.constant 80 : index
      %get3A_56 = tpu.vector_load %arg8[%get3A_54, %get3A_55] {strides = array<i32>} : memref<80x128xi32, #tpu.memory_space<vmem>>, vector<16xi32>,
      tpu.vector_store_idx %arg6[%get3A_56], %broadcast_in_dim3A_11 {add = true} : memref<10240xf32, #tpu.memory_space<vmem>>[vector<16xi32>], vector<16xf32>,
      %get3A_57 = arith.index_cast %scan3A_20 : i32 to index
      %get3A_58 = arith.constant 96 : index
      %get3A_59 = tpu.vector_load %arg7[%get3A_57, %get3A_58] {strides = array<i32>} : memref<80x128xi32, #tpu.memory_space<vmem>>, vector<16xi32>,
      tpu.vector_store_idx %arg5[%get3A_59], %broadcast_in_dim3A_11 {add = true} : memref<10240xf32, #tpu.memory_space<vmem>>[vector<16xi32>], vector<16xf32>,
      %get3A_60 = arith.index_cast %scan3A_20 : i32 to index
      %get3A_61 = arith.constant 96 : index
      %get3A_62 = tpu.vector_load %arg8[%get3A_60, %get3A_61] {strides = array<i32>} : memref<80x128xi32, #tpu.memory_space<vmem>>, vector<16xi32>,
      tpu.vector_store_idx %arg6[%get3A_62], %broadcast_in_dim3A_11 {add = true} : memref<10240xf32, #tpu.memory_space<vmem>>[vector<16xi32>], vector<16xf32>,
      %get3A_63 = arith.index_cast %scan3A_20 : i32 to index
      %get3A_64 = arith.constant 112 : index
      %get3A_65 = tpu.vector_load %arg7[%get3A_63, %get3A_64] {strides = array<i32>} : memref<80x128xi32, #tpu.memory_space<vmem>>, vector<16xi32>,
      tpu.vector_store_idx %arg5[%get3A_65], %broadcast_in_dim3A_11 {add = true} : memref<10240xf32, #tpu.memory_space<vmem>>[vector<16xi32>], vector<16xf32>,
      %get3A_66 = arith.index_cast %scan3A_20 : i32 to index
      %get3A_67 = arith.constant 112 : index
      %get3A_68 = tpu.vector_load %arg8[%get3A_66, %get3A_67] {strides = array<i32>} : memref<80x128xi32, #tpu.memory_space<vmem>>, vector<16xi32>,
      tpu.vector_store_idx %arg6[%get3A_68], %broadcast_in_dim3A_11 {add = true} : memref<10240xf32, #tpu.memory_space<vmem>>[vector<16xi32>], vector<16xf32>,
      %scan3A_69 = arith.constant 0 : i32
      scf.yield %scan3A_69 : i32
    }
    %scan3A_18 = arith.constant 80 : i32
    %run_scoped3A = arith.constant 0 : i32
    "tpu.region"() ({
      %run_scoped3A_20 = tpu.sem_alloc : memref<!tpu.dma_semaphore, #tpu.memory_space<semaphore_mem>>
      %dma_start3A = arith.constant 0 : i32
      %dma_start3A_21 = tpu.memref_slice %arg4[%run_scoped3A, %add3A, %dma_start3A] : memref<2x32x10240xf32, #tpu.memory_space<hbm>> -> memref<1x1x10240xf32, #tpu.memory_space<hbm>>
      %dma_start3A_22 = tpu.memref_squeeze %dma_start3A_21 : memref<1x1x10240xf32, #tpu.memory_space<hbm>> -> memref<10240xf32, #tpu.memory_space<hbm>>
      %dma_start3A_23 = arith.constant 0 : i32
      %dma_start3A_24 = tpu.memref_slice %arg4[%run_scoped3A, %add3A, %dma_start3A_23] : memref<2x32x10240xf32, #tpu.memory_space<hbm>> -> memref<1x1x10240xf32, #tpu.memory_space<hbm>>
      %dma_start3A_25 = tpu.memref_squeeze %dma_start3A_24 : memref<1x1x10240xf32, #tpu.memory_space<hbm>> -> memref<10240xf32, #tpu.memory_space<hbm>>
      tpu.enqueue_dma source(%arg5 : memref<10240xf32, #tpu.memory_space<vmem>>) target(%dma_start3A_25 : memref<10240xf32, #tpu.memory_space<hbm>>) target_semaphore(%run_scoped3A_20 : memref<!tpu.dma_semaphore, #tpu.memory_space<semaphore_mem>>)
      %dma_wait3A = arith.constant 0 : i32
      %dma_wait3A_26 = tpu.memref_slice %arg4[%run_scoped3A, %add3A, %dma_wait3A] : memref<2x32x10240xf32, #tpu.memory_space<hbm>> -> memref<1x1x10240xf32, #tpu.memory_space<hbm>>
      %dma_wait3A_27 = tpu.memref_squeeze %dma_wait3A_26 : memref<1x1x10240xf32, #tpu.memory_space<hbm>> -> memref<10240xf32, #tpu.memory_space<hbm>>
      %dma_wait3A_28 = arith.constant 0 : i32
      %dma_wait3A_29 = tpu.memref_slice %arg4[%run_scoped3A, %add3A, %dma_wait3A_28] : memref<2x32x10240xf32, #tpu.memory_space<hbm>> -> memref<1x1x10240xf32, #tpu.memory_space<hbm>>
      %dma_wait3A_30 = tpu.memref_squeeze %dma_wait3A_29 : memref<1x1x10240xf32, #tpu.memory_space<hbm>> -> memref<10240xf32, #tpu.memory_space<hbm>>
      tpu.wait_dma2 semaphore(%run_scoped3A_20 : memref<!tpu.dma_semaphore, #tpu.memory_space<semaphore_mem>>) src(%arg5 : memref<10240xf32, #tpu.memory_space<vmem>>) dst(%dma_wait3A_30 : memref<10240xf32, #tpu.memory_space<hbm>>)
      tpu.yield
    }) : () -> ()
    %run_scoped3A_19 = arith.constant 1 : i32
    "tpu.region"() ({
      %run_scoped3A_20 = tpu.sem_alloc : memref<!tpu.dma_semaphore, #tpu.memory_space<semaphore_mem>>
      %dma_start3A = arith.constant 0 : i32
      %dma_start3A_21 = tpu.memref_slice %arg4[%run_scoped3A_19, %add3A, %dma_start3A] : memref<2x32x10240xf32, #tpu.memory_space<hbm>> -> memref<1x1x10240xf32, #tpu.memory_space<hbm>>
      %dma_start3A_22 = tpu.memref_squeeze %dma_start3A_21 : memref<1x1x10240xf32, #tpu.memory_space<hbm>> -> memref<10240xf32, #tpu.memory_space<hbm>>
      %dma_start3A_23 = arith.constant 0 : i32
      %dma_start3A_24 = tpu.memref_slice %arg4[%run_scoped3A_19, %add3A, %dma_start3A_23] : memref<2x32x10240xf32, #tpu.memory_space<hbm>> -> memref<1x1x10240xf32, #tpu.memory_space<hbm>>
      %dma_start3A_25 = tpu.memref_squeeze %dma_start3A_24 : memref<1x1x10240xf32, #tpu.memory_space<hbm>> -> memref<10240xf32, #tpu.memory_space<hbm>>
      tpu.enqueue_dma source(%arg6 : memref<10240xf32, #tpu.memory_space<vmem>>) target(%dma_start3A_25 : memref<10240xf32, #tpu.memory_space<hbm>>) target_semaphore(%run_scoped3A_20 : memref<!tpu.dma_semaphore, #tpu.memory_space<semaphore_mem>>)
      %dma_wait3A = arith.constant 0 : i32
      %dma_wait3A_26 = tpu.memref_slice %arg4[%run_scoped3A_19, %add3A, %dma_wait3A] : memref<2x32x10240xf32, #tpu.memory_space<hbm>> -> memref<1x1x10240xf32, #tpu.memory_space<hbm>>
      %dma_wait3A_27 = tpu.memref_squeeze %dma_wait3A_26 : memref<1x1x10240xf32, #tpu.memory_space<hbm>> -> memref<10240xf32, #tpu.memory_space<hbm>>
      %dma_wait3A_28 = arith.constant 0 : i32
      %dma_wait3A_29 = tpu.memref_slice %arg4[%run_scoped3A_19, %add3A, %dma_wait3A_28] : memref<2x32x10240xf32, #tpu.memory_space<hbm>> -> memref<1x1x10240xf32, #tpu.memory_space<hbm>>
      %dma_wait3A_30 = tpu.memref_squeeze %dma_wait3A_29 : memref<1x1x10240xf32, #tpu.memory_space<hbm>> -> memref<10240xf32, #tpu.memory_space<hbm>>
      tpu.wait_dma2 semaphore(%run_scoped3A_20 : memref<!tpu.dma_semaphore, #tpu.memory_space<semaphore_mem>>) src(%arg6 : memref<10240xf32, #tpu.memory_space<vmem>>) dst(%dma_wait3A_30 : memref<10240xf32, #tpu.memory_space<hbm>>)
      tpu.yield
    }) : () -> ()
    return
  }
}

#map = affine_map<(d0, d1) -> (0, 0)>
#map1 = affine_map<(d0, d1) -> (0, 0, 0)>
module attributes {stable_mosaic.version = 14 : i64} {
  func.func @_agg_body(%arg0: i32, %arg1: i32, %arg2: memref<10240x128xf32, #tpu.memory_space<hbm>>, %arg3: memref<2560x128xi32, #tpu.memory_space<hbm>>, %arg4: memref<2560x128xi32, #tpu.memory_space<hbm>>, %arg5: memref<2x10240x128xf32, #tpu.memory_space<hbm>>, %arg6: memref<40x128xi32, #tpu.memory_space<vmem>>, %arg7: memref<40x128xi32, #tpu.memory_space<vmem>>, %arg8: memref<2x128x128xf32, #tpu.memory_space<vmem>>, %arg9: memref<2x!tpu.dma_semaphore, #tpu.memory_space<semaphore_mem>>, %arg10: memref<2x!tpu.dma_semaphore, #tpu.memory_space<semaphore_mem>>, %arg11: memref<10240x128xf32, #tpu.memory_space<vmem_shared>>) attributes {dimension_semantics = [#tpu.dimension_semantics<core_parallel>, #tpu.dimension_semantics<subcore_parallel>], iteration_bounds = array<i64: 2, 16>, scalar_prefetch = 0 : i64, scratch_operands = 6 : i64, tpu.core_type = #tpu.core_type<sc_vector_subcore>, window_params = [{transform_indices = #map}, {transform_indices = #map}, {transform_indices = #map}, {transform_indices = #map1}]} {
    %mul3A = arith.constant 2 : i32
    %mul3A_0 = arith.muli %arg1, %mul3A : i32
    %add3A = arith.addi %mul3A_0, %arg0 : i32
    %scan3A = arith.constant 0 : i32
    %scan3A_1 = arith.constant 0 : i32
    %scan3A_2 = arith.constant 128 : i32
    %scan3A_3 = arith.addi %scan3A_1, %scan3A_2 : i32
    %scan3A_4 = arith.constant 1 : i32
    %scan3A_5 = scf.for %scan3A_117 = %scan3A_1 to %scan3A_3 step %scan3A_4 iter_args(%scan3A_118 = %scan3A) -> (i32)  : i32 {
      %broadcast_in_dim3A = arith.constant 0.000000e+00 : f32
      %broadcast_in_dim3A_119 = vector.broadcast %broadcast_in_dim3A : f32 to vector<16xf32>
      %swap3A = arith.constant 0 : i32
      %swap3A_120 = arith.index_cast %swap3A : i32 to index
      %swap3A_121 = arith.index_cast %scan3A_117 : i32 to index
      %swap3A_122 = arith.constant 0 : index
      %swap3A_123 = tpu.vector_load %arg8[%swap3A_120, %swap3A_121, %swap3A_122] {strides = array<i32>} : memref<2x128x128xf32, #tpu.memory_space<vmem>>, vector<16xf32>,
      tpu.vector_store %arg8[%swap3A_120, %swap3A_121, %swap3A_122], %broadcast_in_dim3A_119 {strides = array<i32>} : memref<2x128x128xf32, #tpu.memory_space<vmem>>, vector<16xf32>,
      %broadcast_in_dim3A_124 = arith.constant 0.000000e+00 : f32
      %broadcast_in_dim3A_125 = vector.broadcast %broadcast_in_dim3A_124 : f32 to vector<16xf32>
      %swap3A_126 = arith.constant 0 : i32
      %swap3A_127 = arith.index_cast %swap3A_126 : i32 to index
      %swap3A_128 = arith.index_cast %scan3A_117 : i32 to index
      %swap3A_129 = arith.constant 16 : index
      %swap3A_130 = tpu.vector_load %arg8[%swap3A_127, %swap3A_128, %swap3A_129] {strides = array<i32>} : memref<2x128x128xf32, #tpu.memory_space<vmem>>, vector<16xf32>,
      tpu.vector_store %arg8[%swap3A_127, %swap3A_128, %swap3A_129], %broadcast_in_dim3A_125 {strides = array<i32>} : memref<2x128x128xf32, #tpu.memory_space<vmem>>, vector<16xf32>,
      %broadcast_in_dim3A_131 = arith.constant 0.000000e+00 : f32
      %broadcast_in_dim3A_132 = vector.broadcast %broadcast_in_dim3A_131 : f32 to vector<16xf32>
      %swap3A_133 = arith.constant 0 : i32
      %swap3A_134 = arith.index_cast %swap3A_133 : i32 to index
      %swap3A_135 = arith.index_cast %scan3A_117 : i32 to index
      %swap3A_136 = arith.constant 32 : index
      %swap3A_137 = tpu.vector_load %arg8[%swap3A_134, %swap3A_135, %swap3A_136] {strides = array<i32>} : memref<2x128x128xf32, #tpu.memory_space<vmem>>, vector<16xf32>,
      tpu.vector_store %arg8[%swap3A_134, %swap3A_135, %swap3A_136], %broadcast_in_dim3A_132 {strides = array<i32>} : memref<2x128x128xf32, #tpu.memory_space<vmem>>, vector<16xf32>,
      %broadcast_in_dim3A_138 = arith.constant 0.000000e+00 : f32
      %broadcast_in_dim3A_139 = vector.broadcast %broadcast_in_dim3A_138 : f32 to vector<16xf32>
      %swap3A_140 = arith.constant 0 : i32
      %swap3A_141 = arith.index_cast %swap3A_140 : i32 to index
      %swap3A_142 = arith.index_cast %scan3A_117 : i32 to index
      %swap3A_143 = arith.constant 48 : index
      %swap3A_144 = tpu.vector_load %arg8[%swap3A_141, %swap3A_142, %swap3A_143] {strides = array<i32>} : memref<2x128x128xf32, #tpu.memory_space<vmem>>, vector<16xf32>,
      tpu.vector_store %arg8[%swap3A_141, %swap3A_142, %swap3A_143], %broadcast_in_dim3A_139 {strides = array<i32>} : memref<2x128x128xf32, #tpu.memory_space<vmem>>, vector<16xf32>,
      %broadcast_in_dim3A_145 = arith.constant 0.000000e+00 : f32
      %broadcast_in_dim3A_146 = vector.broadcast %broadcast_in_dim3A_145 : f32 to vector<16xf32>
      %swap3A_147 = arith.constant 0 : i32
      %swap3A_148 = arith.index_cast %swap3A_147 : i32 to index
      %swap3A_149 = arith.index_cast %scan3A_117 : i32 to index
      %swap3A_150 = arith.constant 64 : index
      %swap3A_151 = tpu.vector_load %arg8[%swap3A_148, %swap3A_149, %swap3A_150] {strides = array<i32>} : memref<2x128x128xf32, #tpu.memory_space<vmem>>, vector<16xf32>,
      tpu.vector_store %arg8[%swap3A_148, %swap3A_149, %swap3A_150], %broadcast_in_dim3A_146 {strides = array<i32>} : memref<2x128x128xf32, #tpu.memory_space<vmem>>, vector<16xf32>,
      %broadcast_in_dim3A_152 = arith.constant 0.000000e+00 : f32
      %broadcast_in_dim3A_153 = vector.broadcast %broadcast_in_dim3A_152 : f32 to vector<16xf32>
      %swap3A_154 = arith.constant 0 : i32
      %swap3A_155 = arith.index_cast %swap3A_154 : i32 to index
      %swap3A_156 = arith.index_cast %scan3A_117 : i32 to index
      %swap3A_157 = arith.constant 80 : index
      %swap3A_158 = tpu.vector_load %arg8[%swap3A_155, %swap3A_156, %swap3A_157] {strides = array<i32>} : memref<2x128x128xf32, #tpu.memory_space<vmem>>, vector<16xf32>,
      tpu.vector_store %arg8[%swap3A_155, %swap3A_156, %swap3A_157], %broadcast_in_dim3A_153 {strides = array<i32>} : memref<2x128x128xf32, #tpu.memory_space<vmem>>, vector<16xf32>,
      %broadcast_in_dim3A_159 = arith.constant 0.000000e+00 : f32
      %broadcast_in_dim3A_160 = vector.broadcast %broadcast_in_dim3A_159 : f32 to vector<16xf32>
      %swap3A_161 = arith.constant 0 : i32
      %swap3A_162 = arith.index_cast %swap3A_161 : i32 to index
      %swap3A_163 = arith.index_cast %scan3A_117 : i32 to index
      %swap3A_164 = arith.constant 96 : index
      %swap3A_165 = tpu.vector_load %arg8[%swap3A_162, %swap3A_163, %swap3A_164] {strides = array<i32>} : memref<2x128x128xf32, #tpu.memory_space<vmem>>, vector<16xf32>,
      tpu.vector_store %arg8[%swap3A_162, %swap3A_163, %swap3A_164], %broadcast_in_dim3A_160 {strides = array<i32>} : memref<2x128x128xf32, #tpu.memory_space<vmem>>, vector<16xf32>,
      %broadcast_in_dim3A_166 = arith.constant 0.000000e+00 : f32
      %broadcast_in_dim3A_167 = vector.broadcast %broadcast_in_dim3A_166 : f32 to vector<16xf32>
      %swap3A_168 = arith.constant 0 : i32
      %swap3A_169 = arith.index_cast %swap3A_168 : i32 to index
      %swap3A_170 = arith.index_cast %scan3A_117 : i32 to index
      %swap3A_171 = arith.constant 112 : index
      %swap3A_172 = tpu.vector_load %arg8[%swap3A_169, %swap3A_170, %swap3A_171] {strides = array<i32>} : memref<2x128x128xf32, #tpu.memory_space<vmem>>, vector<16xf32>,
      tpu.vector_store %arg8[%swap3A_169, %swap3A_170, %swap3A_171], %broadcast_in_dim3A_167 {strides = array<i32>} : memref<2x128x128xf32, #tpu.memory_space<vmem>>, vector<16xf32>,
      %scan3A_173 = arith.constant 0 : i32
      scf.yield %scan3A_173 : i32
    }
    %scan3A_6 = arith.constant 128 : i32
    %mul3A_7 = arith.constant 640 : i32
    %mul3A_8 = arith.muli %arg1, %mul3A_7 : i32
    %add3A_9 = arith.constant 0 : i32
    %add3A_10 = arith.addi %mul3A_8, %add3A_9 : i32
    %run_scoped3A = arith.constant 0 : i32
    "tpu.region"() ({
      %run_scoped3A_117 = tpu.sem_alloc : memref<!tpu.dma_semaphore, #tpu.memory_space<semaphore_mem>>
      %dma_start3A_118 = arith.constant 0 : i32
      %dma_start3A_119 = arith.constant 0 : i32
      %dma_start3A_120 = tpu.memref_slice %arg8[%run_scoped3A, %dma_start3A_118, %dma_start3A_119] : memref<2x128x128xf32, #tpu.memory_space<vmem>> -> memref<1x128x128xf32, #tpu.memory_space<vmem>>
      %dma_start3A_121 = tpu.memref_squeeze %dma_start3A_120 : memref<1x128x128xf32, #tpu.memory_space<vmem>> -> memref<128x128xf32, #tpu.memory_space<vmem>>
      %dma_start3A_122 = arith.constant 0 : i32
      %dma_start3A_123 = tpu.memref_slice %arg11[%add3A_10, %dma_start3A_122] : memref<10240x128xf32, #tpu.memory_space<vmem_shared>> -> memref<128x128xf32, #tpu.memory_space<vmem_shared>>
      %dma_start3A_124 = arith.constant 0 : i32
      %dma_start3A_125 = tpu.memref_slice %arg11[%add3A_10, %dma_start3A_124] : memref<10240x128xf32, #tpu.memory_space<vmem_shared>> -> memref<128x128xf32, #tpu.memory_space<vmem_shared>>
      %dma_start3A_126 = arith.constant 0 : i32
      %dma_start3A_127 = arith.constant 0 : i32
      %dma_start3A_128 = tpu.memref_slice %arg8[%run_scoped3A, %dma_start3A_126, %dma_start3A_127] : memref<2x128x128xf32, #tpu.memory_space<vmem>> -> memref<1x128x128xf32, #tpu.memory_space<vmem>>
      %dma_start3A_129 = tpu.memref_squeeze %dma_start3A_128 : memref<1x128x128xf32, #tpu.memory_space<vmem>> -> memref<128x128xf32, #tpu.memory_space<vmem>>
      tpu.enqueue_dma source(%dma_start3A_129 : memref<128x128xf32, #tpu.memory_space<vmem>>) target(%dma_start3A_125 : memref<128x128xf32, #tpu.memory_space<vmem_shared>>) target_semaphore(%run_scoped3A_117 : memref<!tpu.dma_semaphore, #tpu.memory_space<semaphore_mem>>)
      %dma_wait3A = arith.constant 0 : i32
      %dma_wait3A_130 = arith.constant 0 : i32
      %dma_wait3A_131 = tpu.memref_slice %arg8[%run_scoped3A, %dma_wait3A, %dma_wait3A_130] : memref<2x128x128xf32, #tpu.memory_space<vmem>> -> memref<1x128x128xf32, #tpu.memory_space<vmem>>
      %dma_wait3A_132 = tpu.memref_squeeze %dma_wait3A_131 : memref<1x128x128xf32, #tpu.memory_space<vmem>> -> memref<128x128xf32, #tpu.memory_space<vmem>>
      %dma_wait3A_133 = arith.constant 0 : i32
      %dma_wait3A_134 = tpu.memref_slice %arg11[%add3A_10, %dma_wait3A_133] : memref<10240x128xf32, #tpu.memory_space<vmem_shared>> -> memref<128x128xf32, #tpu.memory_space<vmem_shared>>
      %dma_wait3A_135 = arith.constant 0 : i32
      %dma_wait3A_136 = tpu.memref_slice %arg11[%add3A_10, %dma_wait3A_135] : memref<10240x128xf32, #tpu.memory_space<vmem_shared>> -> memref<128x128xf32, #tpu.memory_space<vmem_shared>>
      %dma_wait3A_137 = arith.constant 0 : i32
      %dma_wait3A_138 = arith.constant 0 : i32
      %dma_wait3A_139 = tpu.memref_slice %arg8[%run_scoped3A, %dma_wait3A_137, %dma_wait3A_138] : memref<2x128x128xf32, #tpu.memory_space<vmem>> -> memref<1x128x128xf32, #tpu.memory_space<vmem>>
      %dma_wait3A_140 = tpu.memref_squeeze %dma_wait3A_139 : memref<1x128x128xf32, #tpu.memory_space<vmem>> -> memref<128x128xf32, #tpu.memory_space<vmem>>
      tpu.wait_dma2 semaphore(%run_scoped3A_117 : memref<!tpu.dma_semaphore, #tpu.memory_space<semaphore_mem>>) src(%dma_wait3A_140 : memref<128x128xf32, #tpu.memory_space<vmem>>) dst(%dma_wait3A_136 : memref<128x128xf32, #tpu.memory_space<vmem_shared>>)
      tpu.yield
    }) : () -> ()
    %mul3A_11 = arith.constant 640 : i32
    %mul3A_12 = arith.muli %arg1, %mul3A_11 : i32
    %add3A_13 = arith.constant 128 : i32
    %add3A_14 = arith.addi %mul3A_12, %add3A_13 : i32
    %run_scoped3A_15 = arith.constant 0 : i32
    "tpu.region"() ({
      %run_scoped3A_117 = tpu.sem_alloc : memref<!tpu.dma_semaphore, #tpu.memory_space<semaphore_mem>>
      %dma_start3A_118 = arith.constant 0 : i32
      %dma_start3A_119 = arith.constant 0 : i32
      %dma_start3A_120 = tpu.memref_slice %arg8[%run_scoped3A_15, %dma_start3A_118, %dma_start3A_119] : memref<2x128x128xf32, #tpu.memory_space<vmem>> -> memref<1x128x128xf32, #tpu.memory_space<vmem>>
      %dma_start3A_121 = tpu.memref_squeeze %dma_start3A_120 : memref<1x128x128xf32, #tpu.memory_space<vmem>> -> memref<128x128xf32, #tpu.memory_space<vmem>>
      %dma_start3A_122 = arith.constant 0 : i32
      %dma_start3A_123 = tpu.memref_slice %arg11[%add3A_14, %dma_start3A_122] : memref<10240x128xf32, #tpu.memory_space<vmem_shared>> -> memref<128x128xf32, #tpu.memory_space<vmem_shared>>
      %dma_start3A_124 = arith.constant 0 : i32
      %dma_start3A_125 = tpu.memref_slice %arg11[%add3A_14, %dma_start3A_124] : memref<10240x128xf32, #tpu.memory_space<vmem_shared>> -> memref<128x128xf32, #tpu.memory_space<vmem_shared>>
      %dma_start3A_126 = arith.constant 0 : i32
      %dma_start3A_127 = arith.constant 0 : i32
      %dma_start3A_128 = tpu.memref_slice %arg8[%run_scoped3A_15, %dma_start3A_126, %dma_start3A_127] : memref<2x128x128xf32, #tpu.memory_space<vmem>> -> memref<1x128x128xf32, #tpu.memory_space<vmem>>
      %dma_start3A_129 = tpu.memref_squeeze %dma_start3A_128 : memref<1x128x128xf32, #tpu.memory_space<vmem>> -> memref<128x128xf32, #tpu.memory_space<vmem>>
      tpu.enqueue_dma source(%dma_start3A_129 : memref<128x128xf32, #tpu.memory_space<vmem>>) target(%dma_start3A_125 : memref<128x128xf32, #tpu.memory_space<vmem_shared>>) target_semaphore(%run_scoped3A_117 : memref<!tpu.dma_semaphore, #tpu.memory_space<semaphore_mem>>)
      %dma_wait3A = arith.constant 0 : i32
      %dma_wait3A_130 = arith.constant 0 : i32
      %dma_wait3A_131 = tpu.memref_slice %arg8[%run_scoped3A_15, %dma_wait3A, %dma_wait3A_130] : memref<2x128x128xf32, #tpu.memory_space<vmem>> -> memref<1x128x128xf32, #tpu.memory_space<vmem>>
      %dma_wait3A_132 = tpu.memref_squeeze %dma_wait3A_131 : memref<1x128x128xf32, #tpu.memory_space<vmem>> -> memref<128x128xf32, #tpu.memory_space<vmem>>
      %dma_wait3A_133 = arith.constant 0 : i32
      %dma_wait3A_134 = tpu.memref_slice %arg11[%add3A_14, %dma_wait3A_133] : memref<10240x128xf32, #tpu.memory_space<vmem_shared>> -> memref<128x128xf32, #tpu.memory_space<vmem_shared>>
      %dma_wait3A_135 = arith.constant 0 : i32
      %dma_wait3A_136 = tpu.memref_slice %arg11[%add3A_14, %dma_wait3A_135] : memref<10240x128xf32, #tpu.memory_space<vmem_shared>> -> memref<128x128xf32, #tpu.memory_space<vmem_shared>>
      %dma_wait3A_137 = arith.constant 0 : i32
      %dma_wait3A_138 = arith.constant 0 : i32
      %dma_wait3A_139 = tpu.memref_slice %arg8[%run_scoped3A_15, %dma_wait3A_137, %dma_wait3A_138] : memref<2x128x128xf32, #tpu.memory_space<vmem>> -> memref<1x128x128xf32, #tpu.memory_space<vmem>>
      %dma_wait3A_140 = tpu.memref_squeeze %dma_wait3A_139 : memref<1x128x128xf32, #tpu.memory_space<vmem>> -> memref<128x128xf32, #tpu.memory_space<vmem>>
      tpu.wait_dma2 semaphore(%run_scoped3A_117 : memref<!tpu.dma_semaphore, #tpu.memory_space<semaphore_mem>>) src(%dma_wait3A_140 : memref<128x128xf32, #tpu.memory_space<vmem>>) dst(%dma_wait3A_136 : memref<128x128xf32, #tpu.memory_space<vmem_shared>>)
      tpu.yield
    }) : () -> ()
    %mul3A_16 = arith.constant 640 : i32
    %mul3A_17 = arith.muli %arg1, %mul3A_16 : i32
    %add3A_18 = arith.constant 256 : i32
    %add3A_19 = arith.addi %mul3A_17, %add3A_18 : i32
    %run_scoped3A_20 = arith.constant 0 : i32
    "tpu.region"() ({
      %run_scoped3A_117 = tpu.sem_alloc : memref<!tpu.dma_semaphore, #tpu.memory_space<semaphore_mem>>
      %dma_start3A_118 = arith.constant 0 : i32
      %dma_start3A_119 = arith.constant 0 : i32
      %dma_start3A_120 = tpu.memref_slice %arg8[%run_scoped3A_20, %dma_start3A_118, %dma_start3A_119] : memref<2x128x128xf32, #tpu.memory_space<vmem>> -> memref<1x128x128xf32, #tpu.memory_space<vmem>>
      %dma_start3A_121 = tpu.memref_squeeze %dma_start3A_120 : memref<1x128x128xf32, #tpu.memory_space<vmem>> -> memref<128x128xf32, #tpu.memory_space<vmem>>
      %dma_start3A_122 = arith.constant 0 : i32
      %dma_start3A_123 = tpu.memref_slice %arg11[%add3A_19, %dma_start3A_122] : memref<10240x128xf32, #tpu.memory_space<vmem_shared>> -> memref<128x128xf32, #tpu.memory_space<vmem_shared>>
      %dma_start3A_124 = arith.constant 0 : i32
      %dma_start3A_125 = tpu.memref_slice %arg11[%add3A_19, %dma_start3A_124] : memref<10240x128xf32, #tpu.memory_space<vmem_shared>> -> memref<128x128xf32, #tpu.memory_space<vmem_shared>>
      %dma_start3A_126 = arith.constant 0 : i32
      %dma_start3A_127 = arith.constant 0 : i32
      %dma_start3A_128 = tpu.memref_slice %arg8[%run_scoped3A_20, %dma_start3A_126, %dma_start3A_127] : memref<2x128x128xf32, #tpu.memory_space<vmem>> -> memref<1x128x128xf32, #tpu.memory_space<vmem>>
      %dma_start3A_129 = tpu.memref_squeeze %dma_start3A_128 : memref<1x128x128xf32, #tpu.memory_space<vmem>> -> memref<128x128xf32, #tpu.memory_space<vmem>>
      tpu.enqueue_dma source(%dma_start3A_129 : memref<128x128xf32, #tpu.memory_space<vmem>>) target(%dma_start3A_125 : memref<128x128xf32, #tpu.memory_space<vmem_shared>>) target_semaphore(%run_scoped3A_117 : memref<!tpu.dma_semaphore, #tpu.memory_space<semaphore_mem>>)
      %dma_wait3A = arith.constant 0 : i32
      %dma_wait3A_130 = arith.constant 0 : i32
      %dma_wait3A_131 = tpu.memref_slice %arg8[%run_scoped3A_20, %dma_wait3A, %dma_wait3A_130] : memref<2x128x128xf32, #tpu.memory_space<vmem>> -> memref<1x128x128xf32, #tpu.memory_space<vmem>>
      %dma_wait3A_132 = tpu.memref_squeeze %dma_wait3A_131 : memref<1x128x128xf32, #tpu.memory_space<vmem>> -> memref<128x128xf32, #tpu.memory_space<vmem>>
      %dma_wait3A_133 = arith.constant 0 : i32
      %dma_wait3A_134 = tpu.memref_slice %arg11[%add3A_19, %dma_wait3A_133] : memref<10240x128xf32, #tpu.memory_space<vmem_shared>> -> memref<128x128xf32, #tpu.memory_space<vmem_shared>>
      %dma_wait3A_135 = arith.constant 0 : i32
      %dma_wait3A_136 = tpu.memref_slice %arg11[%add3A_19, %dma_wait3A_135] : memref<10240x128xf32, #tpu.memory_space<vmem_shared>> -> memref<128x128xf32, #tpu.memory_space<vmem_shared>>
      %dma_wait3A_137 = arith.constant 0 : i32
      %dma_wait3A_138 = arith.constant 0 : i32
      %dma_wait3A_139 = tpu.memref_slice %arg8[%run_scoped3A_20, %dma_wait3A_137, %dma_wait3A_138] : memref<2x128x128xf32, #tpu.memory_space<vmem>> -> memref<1x128x128xf32, #tpu.memory_space<vmem>>
      %dma_wait3A_140 = tpu.memref_squeeze %dma_wait3A_139 : memref<1x128x128xf32, #tpu.memory_space<vmem>> -> memref<128x128xf32, #tpu.memory_space<vmem>>
      tpu.wait_dma2 semaphore(%run_scoped3A_117 : memref<!tpu.dma_semaphore, #tpu.memory_space<semaphore_mem>>) src(%dma_wait3A_140 : memref<128x128xf32, #tpu.memory_space<vmem>>) dst(%dma_wait3A_136 : memref<128x128xf32, #tpu.memory_space<vmem_shared>>)
      tpu.yield
    }) : () -> ()
    %mul3A_21 = arith.constant 640 : i32
    %mul3A_22 = arith.muli %arg1, %mul3A_21 : i32
    %add3A_23 = arith.constant 384 : i32
    %add3A_24 = arith.addi %mul3A_22, %add3A_23 : i32
    %run_scoped3A_25 = arith.constant 0 : i32
    "tpu.region"() ({
      %run_scoped3A_117 = tpu.sem_alloc : memref<!tpu.dma_semaphore, #tpu.memory_space<semaphore_mem>>
      %dma_start3A_118 = arith.constant 0 : i32
      %dma_start3A_119 = arith.constant 0 : i32
      %dma_start3A_120 = tpu.memref_slice %arg8[%run_scoped3A_25, %dma_start3A_118, %dma_start3A_119] : memref<2x128x128xf32, #tpu.memory_space<vmem>> -> memref<1x128x128xf32, #tpu.memory_space<vmem>>
      %dma_start3A_121 = tpu.memref_squeeze %dma_start3A_120 : memref<1x128x128xf32, #tpu.memory_space<vmem>> -> memref<128x128xf32, #tpu.memory_space<vmem>>
      %dma_start3A_122 = arith.constant 0 : i32
      %dma_start3A_123 = tpu.memref_slice %arg11[%add3A_24, %dma_start3A_122] : memref<10240x128xf32, #tpu.memory_space<vmem_shared>> -> memref<128x128xf32, #tpu.memory_space<vmem_shared>>
      %dma_start3A_124 = arith.constant 0 : i32
      %dma_start3A_125 = tpu.memref_slice %arg11[%add3A_24, %dma_start3A_124] : memref<10240x128xf32, #tpu.memory_space<vmem_shared>> -> memref<128x128xf32, #tpu.memory_space<vmem_shared>>
      %dma_start3A_126 = arith.constant 0 : i32
      %dma_start3A_127 = arith.constant 0 : i32
      %dma_start3A_128 = tpu.memref_slice %arg8[%run_scoped3A_25, %dma_start3A_126, %dma_start3A_127] : memref<2x128x128xf32, #tpu.memory_space<vmem>> -> memref<1x128x128xf32, #tpu.memory_space<vmem>>
      %dma_start3A_129 = tpu.memref_squeeze %dma_start3A_128 : memref<1x128x128xf32, #tpu.memory_space<vmem>> -> memref<128x128xf32, #tpu.memory_space<vmem>>
      tpu.enqueue_dma source(%dma_start3A_129 : memref<128x128xf32, #tpu.memory_space<vmem>>) target(%dma_start3A_125 : memref<128x128xf32, #tpu.memory_space<vmem_shared>>) target_semaphore(%run_scoped3A_117 : memref<!tpu.dma_semaphore, #tpu.memory_space<semaphore_mem>>)
      %dma_wait3A = arith.constant 0 : i32
      %dma_wait3A_130 = arith.constant 0 : i32
      %dma_wait3A_131 = tpu.memref_slice %arg8[%run_scoped3A_25, %dma_wait3A, %dma_wait3A_130] : memref<2x128x128xf32, #tpu.memory_space<vmem>> -> memref<1x128x128xf32, #tpu.memory_space<vmem>>
      %dma_wait3A_132 = tpu.memref_squeeze %dma_wait3A_131 : memref<1x128x128xf32, #tpu.memory_space<vmem>> -> memref<128x128xf32, #tpu.memory_space<vmem>>
      %dma_wait3A_133 = arith.constant 0 : i32
      %dma_wait3A_134 = tpu.memref_slice %arg11[%add3A_24, %dma_wait3A_133] : memref<10240x128xf32, #tpu.memory_space<vmem_shared>> -> memref<128x128xf32, #tpu.memory_space<vmem_shared>>
      %dma_wait3A_135 = arith.constant 0 : i32
      %dma_wait3A_136 = tpu.memref_slice %arg11[%add3A_24, %dma_wait3A_135] : memref<10240x128xf32, #tpu.memory_space<vmem_shared>> -> memref<128x128xf32, #tpu.memory_space<vmem_shared>>
      %dma_wait3A_137 = arith.constant 0 : i32
      %dma_wait3A_138 = arith.constant 0 : i32
      %dma_wait3A_139 = tpu.memref_slice %arg8[%run_scoped3A_25, %dma_wait3A_137, %dma_wait3A_138] : memref<2x128x128xf32, #tpu.memory_space<vmem>> -> memref<1x128x128xf32, #tpu.memory_space<vmem>>
      %dma_wait3A_140 = tpu.memref_squeeze %dma_wait3A_139 : memref<1x128x128xf32, #tpu.memory_space<vmem>> -> memref<128x128xf32, #tpu.memory_space<vmem>>
      tpu.wait_dma2 semaphore(%run_scoped3A_117 : memref<!tpu.dma_semaphore, #tpu.memory_space<semaphore_mem>>) src(%dma_wait3A_140 : memref<128x128xf32, #tpu.memory_space<vmem>>) dst(%dma_wait3A_136 : memref<128x128xf32, #tpu.memory_space<vmem_shared>>)
      tpu.yield
    }) : () -> ()
    %mul3A_26 = arith.constant 640 : i32
    %mul3A_27 = arith.muli %arg1, %mul3A_26 : i32
    %add3A_28 = arith.constant 512 : i32
    %add3A_29 = arith.addi %mul3A_27, %add3A_28 : i32
    %run_scoped3A_30 = arith.constant 0 : i32
    "tpu.region"() ({
      %run_scoped3A_117 = tpu.sem_alloc : memref<!tpu.dma_semaphore, #tpu.memory_space<semaphore_mem>>
      %dma_start3A_118 = arith.constant 0 : i32
      %dma_start3A_119 = arith.constant 0 : i32
      %dma_start3A_120 = tpu.memref_slice %arg8[%run_scoped3A_30, %dma_start3A_118, %dma_start3A_119] : memref<2x128x128xf32, #tpu.memory_space<vmem>> -> memref<1x128x128xf32, #tpu.memory_space<vmem>>
      %dma_start3A_121 = tpu.memref_squeeze %dma_start3A_120 : memref<1x128x128xf32, #tpu.memory_space<vmem>> -> memref<128x128xf32, #tpu.memory_space<vmem>>
      %dma_start3A_122 = arith.constant 0 : i32
      %dma_start3A_123 = tpu.memref_slice %arg11[%add3A_29, %dma_start3A_122] : memref<10240x128xf32, #tpu.memory_space<vmem_shared>> -> memref<128x128xf32, #tpu.memory_space<vmem_shared>>
      %dma_start3A_124 = arith.constant 0 : i32
      %dma_start3A_125 = tpu.memref_slice %arg11[%add3A_29, %dma_start3A_124] : memref<10240x128xf32, #tpu.memory_space<vmem_shared>> -> memref<128x128xf32, #tpu.memory_space<vmem_shared>>
      %dma_start3A_126 = arith.constant 0 : i32
      %dma_start3A_127 = arith.constant 0 : i32
      %dma_start3A_128 = tpu.memref_slice %arg8[%run_scoped3A_30, %dma_start3A_126, %dma_start3A_127] : memref<2x128x128xf32, #tpu.memory_space<vmem>> -> memref<1x128x128xf32, #tpu.memory_space<vmem>>
      %dma_start3A_129 = tpu.memref_squeeze %dma_start3A_128 : memref<1x128x128xf32, #tpu.memory_space<vmem>> -> memref<128x128xf32, #tpu.memory_space<vmem>>
      tpu.enqueue_dma source(%dma_start3A_129 : memref<128x128xf32, #tpu.memory_space<vmem>>) target(%dma_start3A_125 : memref<128x128xf32, #tpu.memory_space<vmem_shared>>) target_semaphore(%run_scoped3A_117 : memref<!tpu.dma_semaphore, #tpu.memory_space<semaphore_mem>>)
      %dma_wait3A = arith.constant 0 : i32
      %dma_wait3A_130 = arith.constant 0 : i32
      %dma_wait3A_131 = tpu.memref_slice %arg8[%run_scoped3A_30, %dma_wait3A, %dma_wait3A_130] : memref<2x128x128xf32, #tpu.memory_space<vmem>> -> memref<1x128x128xf32, #tpu.memory_space<vmem>>
      %dma_wait3A_132 = tpu.memref_squeeze %dma_wait3A_131 : memref<1x128x128xf32, #tpu.memory_space<vmem>> -> memref<128x128xf32, #tpu.memory_space<vmem>>
      %dma_wait3A_133 = arith.constant 0 : i32
      %dma_wait3A_134 = tpu.memref_slice %arg11[%add3A_29, %dma_wait3A_133] : memref<10240x128xf32, #tpu.memory_space<vmem_shared>> -> memref<128x128xf32, #tpu.memory_space<vmem_shared>>
      %dma_wait3A_135 = arith.constant 0 : i32
      %dma_wait3A_136 = tpu.memref_slice %arg11[%add3A_29, %dma_wait3A_135] : memref<10240x128xf32, #tpu.memory_space<vmem_shared>> -> memref<128x128xf32, #tpu.memory_space<vmem_shared>>
      %dma_wait3A_137 = arith.constant 0 : i32
      %dma_wait3A_138 = arith.constant 0 : i32
      %dma_wait3A_139 = tpu.memref_slice %arg8[%run_scoped3A_30, %dma_wait3A_137, %dma_wait3A_138] : memref<2x128x128xf32, #tpu.memory_space<vmem>> -> memref<1x128x128xf32, #tpu.memory_space<vmem>>
      %dma_wait3A_140 = tpu.memref_squeeze %dma_wait3A_139 : memref<1x128x128xf32, #tpu.memory_space<vmem>> -> memref<128x128xf32, #tpu.memory_space<vmem>>
      tpu.wait_dma2 semaphore(%run_scoped3A_117 : memref<!tpu.dma_semaphore, #tpu.memory_space<semaphore_mem>>) src(%dma_wait3A_140 : memref<128x128xf32, #tpu.memory_space<vmem>>) dst(%dma_wait3A_136 : memref<128x128xf32, #tpu.memory_space<vmem_shared>>)
      tpu.yield
    }) : () -> ()
    %barrier3A = arith.constant 0 : index
    tpu.barrier barrier_id(%barrier3A)
    %mul3A_31 = arith.constant 80 : i32
    %mul3A_32 = arith.muli %add3A, %mul3A_31 : i32
    %add3A_33 = arith.constant 0 : i32
    %add3A_34 = arith.addi %mul3A_32, %add3A_33 : i32
    "tpu.region"() ({
      %run_scoped3A_117 = tpu.sem_alloc : memref<!tpu.dma_semaphore, #tpu.memory_space<semaphore_mem>>
      %dma_start3A_118 = arith.constant 0 : i32
      %dma_start3A_119 = tpu.memref_slice %arg3[%add3A_34, %dma_start3A_118] : memref<2560x128xi32, #tpu.memory_space<hbm>> -> memref<40x128xi32, #tpu.memory_space<hbm>>
      %dma_start3A_120 = arith.constant 0 : i32
      %dma_start3A_121 = tpu.memref_slice %arg3[%add3A_34, %dma_start3A_120] : memref<2560x128xi32, #tpu.memory_space<hbm>> -> memref<40x128xi32, #tpu.memory_space<hbm>>
      tpu.enqueue_dma source(%dma_start3A_121 : memref<40x128xi32, #tpu.memory_space<hbm>>) target(%arg6 : memref<40x128xi32, #tpu.memory_space<vmem>>) target_semaphore(%run_scoped3A_117 : memref<!tpu.dma_semaphore, #tpu.memory_space<semaphore_mem>>)
      %dma_wait3A = arith.constant 0 : i32
      %dma_wait3A_122 = tpu.memref_slice %arg3[%add3A_34, %dma_wait3A] : memref<2560x128xi32, #tpu.memory_space<hbm>> -> memref<40x128xi32, #tpu.memory_space<hbm>>
      %dma_wait3A_123 = arith.constant 0 : i32
      %dma_wait3A_124 = tpu.memref_slice %arg3[%add3A_34, %dma_wait3A_123] : memref<2560x128xi32, #tpu.memory_space<hbm>> -> memref<40x128xi32, #tpu.memory_space<hbm>>
      tpu.wait_dma2 semaphore(%run_scoped3A_117 : memref<!tpu.dma_semaphore, #tpu.memory_space<semaphore_mem>>) src(%dma_wait3A_124 : memref<40x128xi32, #tpu.memory_space<hbm>>) dst(%arg6 : memref<40x128xi32, #tpu.memory_space<vmem>>)
      tpu.yield
    }) : () -> ()
    "tpu.region"() ({
      %run_scoped3A_117 = tpu.sem_alloc : memref<!tpu.dma_semaphore, #tpu.memory_space<semaphore_mem>>
      %dma_start3A_118 = arith.constant 0 : i32
      %dma_start3A_119 = tpu.memref_slice %arg4[%add3A_34, %dma_start3A_118] : memref<2560x128xi32, #tpu.memory_space<hbm>> -> memref<40x128xi32, #tpu.memory_space<hbm>>
      %dma_start3A_120 = arith.constant 0 : i32
      %dma_start3A_121 = tpu.memref_slice %arg4[%add3A_34, %dma_start3A_120] : memref<2560x128xi32, #tpu.memory_space<hbm>> -> memref<40x128xi32, #tpu.memory_space<hbm>>
      tpu.enqueue_dma source(%dma_start3A_121 : memref<40x128xi32, #tpu.memory_space<hbm>>) target(%arg7 : memref<40x128xi32, #tpu.memory_space<vmem>>) target_semaphore(%run_scoped3A_117 : memref<!tpu.dma_semaphore, #tpu.memory_space<semaphore_mem>>)
      %dma_wait3A = arith.constant 0 : i32
      %dma_wait3A_122 = tpu.memref_slice %arg4[%add3A_34, %dma_wait3A] : memref<2560x128xi32, #tpu.memory_space<hbm>> -> memref<40x128xi32, #tpu.memory_space<hbm>>
      %dma_wait3A_123 = arith.constant 0 : i32
      %dma_wait3A_124 = tpu.memref_slice %arg4[%add3A_34, %dma_wait3A_123] : memref<2560x128xi32, #tpu.memory_space<hbm>> -> memref<40x128xi32, #tpu.memory_space<hbm>>
      tpu.wait_dma2 semaphore(%run_scoped3A_117 : memref<!tpu.dma_semaphore, #tpu.memory_space<semaphore_mem>>) src(%dma_wait3A_124 : memref<40x128xi32, #tpu.memory_space<hbm>>) dst(%arg7 : memref<40x128xi32, #tpu.memory_space<vmem>>)
      tpu.yield
    }) : () -> ()
    %dma_start3A = arith.constant 0 : i32
    %dma_start3A_35 = arith.constant 0 : i32
    %dma_start3A_36 = arith.constant 0 : i32
    %dma_start3A_37 = arith.constant 0 : i32
    %dma_start3A_38 = arith.constant 0 : i32
    %dma_start3A_39 = tpu.memref_slice %arg8[%dma_start3A_35, %dma_start3A_37, %dma_start3A_38] : memref<2x128x128xf32, #tpu.memory_space<vmem>> -> memref<1x128x128xf32, #tpu.memory_space<vmem>>
    %dma_start3A_40 = tpu.memref_squeeze %dma_start3A_39 : memref<1x128x128xf32, #tpu.memory_space<vmem>> -> memref<128x128xf32, #tpu.memory_space<vmem>>
    %dma_start3A_41 = arith.constant 0 : i32
    %dma_start3A_42 = tpu.memref_slice %arg6[%dma_start3A, %dma_start3A_41] : memref<40x128xi32, #tpu.memory_space<vmem>> -> memref<1x128xi32, #tpu.memory_space<vmem>>
    %dma_start3A_43 = tpu.memref_squeeze %dma_start3A_42 : memref<1x128xi32, #tpu.memory_space<vmem>> -> memref<128xi32, #tpu.memory_space<vmem>>
    %dma_start3A_44 = arith.constant 0 : i32
    %dma_start3A_45 = arith.constant 0 : i32
    %dma_start3A_46 = tpu.memref_slice %arg2[%dma_start3A_44, %dma_start3A_45] : memref<10240x128xf32, #tpu.memory_space<hbm>> -> memref<10240x128xf32, #tpu.memory_space<hbm>>
    %dma_start3A_47 = tpu.memref_slice %arg9[%dma_start3A_36] : memref<2x!tpu.dma_semaphore, #tpu.memory_space<semaphore_mem>> -> memref<1x!tpu.dma_semaphore, #tpu.memory_space<semaphore_mem>>
    %dma_start3A_48 = tpu.memref_squeeze %dma_start3A_47 : memref<1x!tpu.dma_semaphore, #tpu.memory_space<semaphore_mem>> -> memref<!tpu.dma_semaphore, #tpu.memory_space<semaphore_mem>>
    tpu.enqueue_indirect_dma source(%dma_start3A_46 : memref<10240x128xf32, #tpu.memory_space<hbm>>) target(%dma_start3A_40 : memref<128x128xf32, #tpu.memory_space<vmem>>) offsets(%dma_start3A_43 : memref<128xi32, #tpu.memory_space<vmem>>) semaphore(%dma_start3A_48 : memref<!tpu.dma_semaphore, #tpu.memory_space<semaphore_mem>>)
    %dma_start3A_49 = arith.constant 1 : i32
    %dma_start3A_50 = arith.constant 1 : i32
    %dma_start3A_51 = arith.constant 1 : i32
    %dma_start3A_52 = arith.constant 0 : i32
    %dma_start3A_53 = arith.constant 0 : i32
    %dma_start3A_54 = tpu.memref_slice %arg8[%dma_start3A_50, %dma_start3A_52, %dma_start3A_53] : memref<2x128x128xf32, #tpu.memory_space<vmem>> -> memref<1x128x128xf32, #tpu.memory_space<vmem>>
    %dma_start3A_55 = tpu.memref_squeeze %dma_start3A_54 : memref<1x128x128xf32, #tpu.memory_space<vmem>> -> memref<128x128xf32, #tpu.memory_space<vmem>>
    %dma_start3A_56 = arith.constant 0 : i32
    %dma_start3A_57 = tpu.memref_slice %arg6[%dma_start3A_49, %dma_start3A_56] : memref<40x128xi32, #tpu.memory_space<vmem>> -> memref<1x128xi32, #tpu.memory_space<vmem>>
    %dma_start3A_58 = tpu.memref_squeeze %dma_start3A_57 : memref<1x128xi32, #tpu.memory_space<vmem>> -> memref<128xi32, #tpu.memory_space<vmem>>
    %dma_start3A_59 = arith.constant 0 : i32
    %dma_start3A_60 = arith.constant 0 : i32
    %dma_start3A_61 = tpu.memref_slice %arg2[%dma_start3A_59, %dma_start3A_60] : memref<10240x128xf32, #tpu.memory_space<hbm>> -> memref<10240x128xf32, #tpu.memory_space<hbm>>
    %dma_start3A_62 = tpu.memref_slice %arg9[%dma_start3A_51] : memref<2x!tpu.dma_semaphore, #tpu.memory_space<semaphore_mem>> -> memref<1x!tpu.dma_semaphore, #tpu.memory_space<semaphore_mem>>
    %dma_start3A_63 = tpu.memref_squeeze %dma_start3A_62 : memref<1x!tpu.dma_semaphore, #tpu.memory_space<semaphore_mem>> -> memref<!tpu.dma_semaphore, #tpu.memory_space<semaphore_mem>>
    tpu.enqueue_indirect_dma source(%dma_start3A_61 : memref<10240x128xf32, #tpu.memory_space<hbm>>) target(%dma_start3A_55 : memref<128x128xf32, #tpu.memory_space<vmem>>) offsets(%dma_start3A_58 : memref<128xi32, #tpu.memory_space<vmem>>) semaphore(%dma_start3A_63 : memref<!tpu.dma_semaphore, #tpu.memory_space<semaphore_mem>>)
    %scan3A_64 = arith.constant 0 : i32
    %scan3A_65 = arith.constant 0 : i32
    %scan3A_66 = arith.constant 20 : i32
    %scan3A_67 = arith.addi %scan3A_65, %scan3A_66 : i32
    %scan3A_68 = arith.constant 1 : i32
    %scan3A_69 = scf.for %scan3A_117 = %scan3A_65 to %scan3A_67 step %scan3A_68 iter_args(%scan3A_118 = %scan3A_64) -> (i32)  : i32 {
      %mul3A_119 = arith.constant 2 : i32
      %mul3A_120 = arith.muli %scan3A_117, %mul3A_119 : i32
      %add3A_121 = arith.constant 0 : i32
      %add3A_122 = arith.addi %mul3A_120, %add3A_121 : i32
      %dma_wait3A = arith.constant 0 : i32
      %dma_wait3A_123 = arith.constant 0 : i32
      %dma_wait3A_124 = arith.constant 0 : i32
      %dma_wait3A_125 = arith.constant 0 : i32
      %dma_wait3A_126 = tpu.memref_slice %arg8[%dma_wait3A, %dma_wait3A_124, %dma_wait3A_125] : memref<2x128x128xf32, #tpu.memory_space<vmem>> -> memref<1x128x128xf32, #tpu.memory_space<vmem>>
      %dma_wait3A_127 = tpu.memref_squeeze %dma_wait3A_126 : memref<1x128x128xf32, #tpu.memory_space<vmem>> -> memref<128x128xf32, #tpu.memory_space<vmem>>
      %dma_wait3A_128 = arith.constant 0 : i32
      %dma_wait3A_129 = tpu.memref_slice %arg6[%add3A_122, %dma_wait3A_128] : memref<40x128xi32, #tpu.memory_space<vmem>> -> memref<1x128xi32, #tpu.memory_space<vmem>>
      %dma_wait3A_130 = tpu.memref_squeeze %dma_wait3A_129 : memref<1x128xi32, #tpu.memory_space<vmem>> -> memref<128xi32, #tpu.memory_space<vmem>>
      %dma_wait3A_131 = arith.constant 0 : i32
      %dma_wait3A_132 = arith.constant 0 : i32
      %dma_wait3A_133 = tpu.memref_slice %arg2[%dma_wait3A_131, %dma_wait3A_132] : memref<10240x128xf32, #tpu.memory_space<hbm>> -> memref<10240x128xf32, #tpu.memory_space<hbm>>
      %dma_wait3A_134 = tpu.memref_slice %arg9[%dma_wait3A_123] : memref<2x!tpu.dma_semaphore, #tpu.memory_space<semaphore_mem>> -> memref<1x!tpu.dma_semaphore, #tpu.memory_space<semaphore_mem>>
      %dma_wait3A_135 = tpu.memref_squeeze %dma_wait3A_134 : memref<1x!tpu.dma_semaphore, #tpu.memory_space<semaphore_mem>> -> memref<!tpu.dma_semaphore, #tpu.memory_space<semaphore_mem>>
      tpu.wait_indirect_dma semaphore(%dma_wait3A_135 : memref<!tpu.dma_semaphore, #tpu.memory_space<semaphore_mem>>) src(%dma_wait3A_133 : memref<10240x128xf32, #tpu.memory_space<hbm>>) dst(%dma_wait3A_127 : memref<128x128xf32, #tpu.memory_space<vmem>>)
      %run_scoped3A_136 = arith.constant 0 : i32
      "tpu.region"() ({
        %run_scoped3A_168 = tpu.sem_alloc : memref<!tpu.dma_semaphore, #tpu.memory_space<semaphore_mem>>
        %dma_start3A_169 = arith.constant 0 : i32
        %dma_start3A_170 = arith.constant 0 : i32
        %dma_start3A_171 = tpu.memref_slice %arg8[%run_scoped3A_136, %dma_start3A_169, %dma_start3A_170] : memref<2x128x128xf32, #tpu.memory_space<vmem>> -> memref<1x128x128xf32, #tpu.memory_space<vmem>>
        %dma_start3A_172 = tpu.memref_squeeze %dma_start3A_171 : memref<1x128x128xf32, #tpu.memory_space<vmem>> -> memref<128x128xf32, #tpu.memory_space<vmem>>
        %dma_start3A_173 = arith.constant 0 : i32
        %dma_start3A_174 = tpu.memref_slice %arg7[%add3A_122, %dma_start3A_173] : memref<40x128xi32, #tpu.memory_space<vmem>> -> memref<1x128xi32, #tpu.memory_space<vmem>>
        %dma_start3A_175 = tpu.memref_squeeze %dma_start3A_174 : memref<1x128xi32, #tpu.memory_space<vmem>> -> memref<128xi32, #tpu.memory_space<vmem>>
        %dma_start3A_176 = arith.constant 0 : i32
        %dma_start3A_177 = arith.constant 0 : i32
        %dma_start3A_178 = tpu.memref_slice %arg11[%dma_start3A_176, %dma_start3A_177] : memref<10240x128xf32, #tpu.memory_space<vmem_shared>> -> memref<10240x128xf32, #tpu.memory_space<vmem_shared>>
        tpu.enqueue_indirect_dma source(%dma_start3A_172 : memref<128x128xf32, #tpu.memory_space<vmem>>) target(%dma_start3A_178 : memref<10240x128xf32, #tpu.memory_space<vmem_shared>>) offsets(%dma_start3A_175 : memref<128xi32, #tpu.memory_space<vmem>>) semaphore(%run_scoped3A_168 : memref<!tpu.dma_semaphore, #tpu.memory_space<semaphore_mem>>) {add = true}
        %dma_wait3A_179 = arith.constant 0 : i32
        %dma_wait3A_180 = arith.constant 0 : i32
        %dma_wait3A_181 = tpu.memref_slice %arg8[%run_scoped3A_136, %dma_wait3A_179, %dma_wait3A_180] : memref<2x128x128xf32, #tpu.memory_space<vmem>> -> memref<1x128x128xf32, #tpu.memory_space<vmem>>
        %dma_wait3A_182 = tpu.memref_squeeze %dma_wait3A_181 : memref<1x128x128xf32, #tpu.memory_space<vmem>> -> memref<128x128xf32, #tpu.memory_space<vmem>>
        %dma_wait3A_183 = arith.constant 0 : i32
        %dma_wait3A_184 = tpu.memref_slice %arg7[%add3A_122, %dma_wait3A_183] : memref<40x128xi32, #tpu.memory_space<vmem>> -> memref<1x128xi32, #tpu.memory_space<vmem>>
        %dma_wait3A_185 = tpu.memref_squeeze %dma_wait3A_184 : memref<1x128xi32, #tpu.memory_space<vmem>> -> memref<128xi32, #tpu.memory_space<vmem>>
        %dma_wait3A_186 = arith.constant 0 : i32
        %dma_wait3A_187 = arith.constant 0 : i32
        %dma_wait3A_188 = tpu.memref_slice %arg11[%dma_wait3A_186, %dma_wait3A_187] : memref<10240x128xf32, #tpu.memory_space<vmem_shared>> -> memref<10240x128xf32, #tpu.memory_space<vmem_shared>>
        tpu.wait_indirect_dma semaphore(%run_scoped3A_168 : memref<!tpu.dma_semaphore, #tpu.memory_space<semaphore_mem>>) src(%dma_wait3A_182 : memref<128x128xf32, #tpu.memory_space<vmem>>) dst(%dma_wait3A_188 : memref<10240x128xf32, #tpu.memory_space<vmem_shared>>)
        tpu.yield
      }) : () -> ()
      %add3A_137 = arith.constant 2 : i32
      %add3A_138 = arith.addi %add3A_122, %add3A_137 : i32
      %lt3A = arith.constant 40 : i32
      %lt3A_139 = arith.cmpi slt, %add3A_138, %lt3A : i32
      %convert_element_type3A = arith.extui %lt3A_139 : i1 to i32
      %cond3A = arith.constant 0 : i32
      %cond3A_140 = arith.cmpi ne, %convert_element_type3A, %cond3A : i32
      scf.if %cond3A_140 {
        %dma_start3A_168 = arith.constant 0 : i32
        %dma_start3A_169 = arith.constant 0 : i32
        %dma_start3A_170 = arith.constant 0 : i32
        %dma_start3A_171 = arith.constant 0 : i32
        %dma_start3A_172 = tpu.memref_slice %arg8[%dma_start3A_168, %dma_start3A_170, %dma_start3A_171] : memref<2x128x128xf32, #tpu.memory_space<vmem>> -> memref<1x128x128xf32, #tpu.memory_space<vmem>>
        %dma_start3A_173 = tpu.memref_squeeze %dma_start3A_172 : memref<1x128x128xf32, #tpu.memory_space<vmem>> -> memref<128x128xf32, #tpu.memory_space<vmem>>
        %dma_start3A_174 = arith.constant 0 : i32
        %dma_start3A_175 = tpu.memref_slice %arg6[%add3A_138, %dma_start3A_174] : memref<40x128xi32, #tpu.memory_space<vmem>> -> memref<1x128xi32, #tpu.memory_space<vmem>>
        %dma_start3A_176 = tpu.memref_squeeze %dma_start3A_175 : memref<1x128xi32, #tpu.memory_space<vmem>> -> memref<128xi32, #tpu.memory_space<vmem>>
        %dma_start3A_177 = arith.constant 0 : i32
        %dma_start3A_178 = arith.constant 0 : i32
        %dma_start3A_179 = tpu.memref_slice %arg2[%dma_start3A_177, %dma_start3A_178] : memref<10240x128xf32, #tpu.memory_space<hbm>> -> memref<10240x128xf32, #tpu.memory_space<hbm>>
        %dma_start3A_180 = tpu.memref_slice %arg9[%dma_start3A_169] : memref<2x!tpu.dma_semaphore, #tpu.memory_space<semaphore_mem>> -> memref<1x!tpu.dma_semaphore, #tpu.memory_space<semaphore_mem>>
        %dma_start3A_181 = tpu.memref_squeeze %dma_start3A_180 : memref<1x!tpu.dma_semaphore, #tpu.memory_space<semaphore_mem>> -> memref<!tpu.dma_semaphore, #tpu.memory_space<semaphore_mem>>
        tpu.enqueue_indirect_dma source(%dma_start3A_179 : memref<10240x128xf32, #tpu.memory_space<hbm>>) target(%dma_start3A_173 : memref<128x128xf32, #tpu.memory_space<vmem>>) offsets(%dma_start3A_176 : memref<128xi32, #tpu.memory_space<vmem>>) semaphore(%dma_start3A_181 : memref<!tpu.dma_semaphore, #tpu.memory_space<semaphore_mem>>)
      } else {
      }
      %mul3A_141 = arith.constant 2 : i32
      %mul3A_142 = arith.muli %scan3A_117, %mul3A_141 : i32
      %add3A_143 = arith.constant 1 : i32
      %add3A_144 = arith.addi %mul3A_142, %add3A_143 : i32
      %dma_wait3A_145 = arith.constant 1 : i32
      %dma_wait3A_146 = arith.constant 1 : i32
      %dma_wait3A_147 = arith.constant 0 : i32
      %dma_wait3A_148 = arith.constant 0 : i32
      %dma_wait3A_149 = tpu.memref_slice %arg8[%dma_wait3A_145, %dma_wait3A_147, %dma_wait3A_148] : memref<2x128x128xf32, #tpu.memory_space<vmem>> -> memref<1x128x128xf32, #tpu.memory_space<vmem>>
      %dma_wait3A_150 = tpu.memref_squeeze %dma_wait3A_149 : memref<1x128x128xf32, #tpu.memory_space<vmem>> -> memref<128x128xf32, #tpu.memory_space<vmem>>
      %dma_wait3A_151 = arith.constant 0 : i32
      %dma_wait3A_152 = tpu.memref_slice %arg6[%add3A_144, %dma_wait3A_151] : memref<40x128xi32, #tpu.memory_space<vmem>> -> memref<1x128xi32, #tpu.memory_space<vmem>>
      %dma_wait3A_153 = tpu.memref_squeeze %dma_wait3A_152 : memref<1x128xi32, #tpu.memory_space<vmem>> -> memref<128xi32, #tpu.memory_space<vmem>>
      %dma_wait3A_154 = arith.constant 0 : i32
      %dma_wait3A_155 = arith.constant 0 : i32
      %dma_wait3A_156 = tpu.memref_slice %arg2[%dma_wait3A_154, %dma_wait3A_155] : memref<10240x128xf32, #tpu.memory_space<hbm>> -> memref<10240x128xf32, #tpu.memory_space<hbm>>
      %dma_wait3A_157 = tpu.memref_slice %arg9[%dma_wait3A_146] : memref<2x!tpu.dma_semaphore, #tpu.memory_space<semaphore_mem>> -> memref<1x!tpu.dma_semaphore, #tpu.memory_space<semaphore_mem>>
      %dma_wait3A_158 = tpu.memref_squeeze %dma_wait3A_157 : memref<1x!tpu.dma_semaphore, #tpu.memory_space<semaphore_mem>> -> memref<!tpu.dma_semaphore, #tpu.memory_space<semaphore_mem>>
      tpu.wait_indirect_dma semaphore(%dma_wait3A_158 : memref<!tpu.dma_semaphore, #tpu.memory_space<semaphore_mem>>) src(%dma_wait3A_156 : memref<10240x128xf32, #tpu.memory_space<hbm>>) dst(%dma_wait3A_150 : memref<128x128xf32, #tpu.memory_space<vmem>>)
      %run_scoped3A_159 = arith.constant 1 : i32
      "tpu.region"() ({
        %run_scoped3A_168 = tpu.sem_alloc : memref<!tpu.dma_semaphore, #tpu.memory_space<semaphore_mem>>
        %dma_start3A_169 = arith.constant 0 : i32
        %dma_start3A_170 = arith.constant 0 : i32
        %dma_start3A_171 = tpu.memref_slice %arg8[%run_scoped3A_159, %dma_start3A_169, %dma_start3A_170] : memref<2x128x128xf32, #tpu.memory_space<vmem>> -> memref<1x128x128xf32, #tpu.memory_space<vmem>>
        %dma_start3A_172 = tpu.memref_squeeze %dma_start3A_171 : memref<1x128x128xf32, #tpu.memory_space<vmem>> -> memref<128x128xf32, #tpu.memory_space<vmem>>
        %dma_start3A_173 = arith.constant 0 : i32
        %dma_start3A_174 = tpu.memref_slice %arg7[%add3A_144, %dma_start3A_173] : memref<40x128xi32, #tpu.memory_space<vmem>> -> memref<1x128xi32, #tpu.memory_space<vmem>>
        %dma_start3A_175 = tpu.memref_squeeze %dma_start3A_174 : memref<1x128xi32, #tpu.memory_space<vmem>> -> memref<128xi32, #tpu.memory_space<vmem>>
        %dma_start3A_176 = arith.constant 0 : i32
        %dma_start3A_177 = arith.constant 0 : i32
        %dma_start3A_178 = tpu.memref_slice %arg11[%dma_start3A_176, %dma_start3A_177] : memref<10240x128xf32, #tpu.memory_space<vmem_shared>> -> memref<10240x128xf32, #tpu.memory_space<vmem_shared>>
        tpu.enqueue_indirect_dma source(%dma_start3A_172 : memref<128x128xf32, #tpu.memory_space<vmem>>) target(%dma_start3A_178 : memref<10240x128xf32, #tpu.memory_space<vmem_shared>>) offsets(%dma_start3A_175 : memref<128xi32, #tpu.memory_space<vmem>>) semaphore(%run_scoped3A_168 : memref<!tpu.dma_semaphore, #tpu.memory_space<semaphore_mem>>) {add = true}
        %dma_wait3A_179 = arith.constant 0 : i32
        %dma_wait3A_180 = arith.constant 0 : i32
        %dma_wait3A_181 = tpu.memref_slice %arg8[%run_scoped3A_159, %dma_wait3A_179, %dma_wait3A_180] : memref<2x128x128xf32, #tpu.memory_space<vmem>> -> memref<1x128x128xf32, #tpu.memory_space<vmem>>
        %dma_wait3A_182 = tpu.memref_squeeze %dma_wait3A_181 : memref<1x128x128xf32, #tpu.memory_space<vmem>> -> memref<128x128xf32, #tpu.memory_space<vmem>>
        %dma_wait3A_183 = arith.constant 0 : i32
        %dma_wait3A_184 = tpu.memref_slice %arg7[%add3A_144, %dma_wait3A_183] : memref<40x128xi32, #tpu.memory_space<vmem>> -> memref<1x128xi32, #tpu.memory_space<vmem>>
        %dma_wait3A_185 = tpu.memref_squeeze %dma_wait3A_184 : memref<1x128xi32, #tpu.memory_space<vmem>> -> memref<128xi32, #tpu.memory_space<vmem>>
        %dma_wait3A_186 = arith.constant 0 : i32
        %dma_wait3A_187 = arith.constant 0 : i32
        %dma_wait3A_188 = tpu.memref_slice %arg11[%dma_wait3A_186, %dma_wait3A_187] : memref<10240x128xf32, #tpu.memory_space<vmem_shared>> -> memref<10240x128xf32, #tpu.memory_space<vmem_shared>>
        tpu.wait_indirect_dma semaphore(%run_scoped3A_168 : memref<!tpu.dma_semaphore, #tpu.memory_space<semaphore_mem>>) src(%dma_wait3A_182 : memref<128x128xf32, #tpu.memory_space<vmem>>) dst(%dma_wait3A_188 : memref<10240x128xf32, #tpu.memory_space<vmem_shared>>)
        tpu.yield
      }) : () -> ()
      %add3A_160 = arith.constant 2 : i32
      %add3A_161 = arith.addi %add3A_144, %add3A_160 : i32
      %lt3A_162 = arith.constant 40 : i32
      %lt3A_163 = arith.cmpi slt, %add3A_161, %lt3A_162 : i32
      %convert_element_type3A_164 = arith.extui %lt3A_163 : i1 to i32
      %cond3A_165 = arith.constant 0 : i32
      %cond3A_166 = arith.cmpi ne, %convert_element_type3A_164, %cond3A_165 : i32
      scf.if %cond3A_166 {
        %dma_start3A_168 = arith.constant 1 : i32
        %dma_start3A_169 = arith.constant 1 : i32
        %dma_start3A_170 = arith.constant 0 : i32
        %dma_start3A_171 = arith.constant 0 : i32
        %dma_start3A_172 = tpu.memref_slice %arg8[%dma_start3A_168, %dma_start3A_170, %dma_start3A_171] : memref<2x128x128xf32, #tpu.memory_space<vmem>> -> memref<1x128x128xf32, #tpu.memory_space<vmem>>
        %dma_start3A_173 = tpu.memref_squeeze %dma_start3A_172 : memref<1x128x128xf32, #tpu.memory_space<vmem>> -> memref<128x128xf32, #tpu.memory_space<vmem>>
        %dma_start3A_174 = arith.constant 0 : i32
        %dma_start3A_175 = tpu.memref_slice %arg6[%add3A_161, %dma_start3A_174] : memref<40x128xi32, #tpu.memory_space<vmem>> -> memref<1x128xi32, #tpu.memory_space<vmem>>
        %dma_start3A_176 = tpu.memref_squeeze %dma_start3A_175 : memref<1x128xi32, #tpu.memory_space<vmem>> -> memref<128xi32, #tpu.memory_space<vmem>>
        %dma_start3A_177 = arith.constant 0 : i32
        %dma_start3A_178 = arith.constant 0 : i32
        %dma_start3A_179 = tpu.memref_slice %arg2[%dma_start3A_177, %dma_start3A_178] : memref<10240x128xf32, #tpu.memory_space<hbm>> -> memref<10240x128xf32, #tpu.memory_space<hbm>>
        %dma_start3A_180 = tpu.memref_slice %arg9[%dma_start3A_169] : memref<2x!tpu.dma_semaphore, #tpu.memory_space<semaphore_mem>> -> memref<1x!tpu.dma_semaphore, #tpu.memory_space<semaphore_mem>>
        %dma_start3A_181 = tpu.memref_squeeze %dma_start3A_180 : memref<1x!tpu.dma_semaphore, #tpu.memory_space<semaphore_mem>> -> memref<!tpu.dma_semaphore, #tpu.memory_space<semaphore_mem>>
        tpu.enqueue_indirect_dma source(%dma_start3A_179 : memref<10240x128xf32, #tpu.memory_space<hbm>>) target(%dma_start3A_173 : memref<128x128xf32, #tpu.memory_space<vmem>>) offsets(%dma_start3A_176 : memref<128xi32, #tpu.memory_space<vmem>>) semaphore(%dma_start3A_181 : memref<!tpu.dma_semaphore, #tpu.memory_space<semaphore_mem>>)
      } else {
      }
      %scan3A_167 = arith.constant 0 : i32
      scf.yield %scan3A_167 : i32
    }
    %scan3A_70 = arith.constant 20 : i32
    %mul3A_71 = arith.constant 80 : i32
    %mul3A_72 = arith.muli %add3A, %mul3A_71 : i32
    %add3A_73 = arith.constant 40 : i32
    %add3A_74 = arith.addi %mul3A_72, %add3A_73 : i32
    "tpu.region"() ({
      %run_scoped3A_117 = tpu.sem_alloc : memref<!tpu.dma_semaphore, #tpu.memory_space<semaphore_mem>>
      %dma_start3A_118 = arith.constant 0 : i32
      %dma_start3A_119 = tpu.memref_slice %arg3[%add3A_74, %dma_start3A_118] : memref<2560x128xi32, #tpu.memory_space<hbm>> -> memref<40x128xi32, #tpu.memory_space<hbm>>
      %dma_start3A_120 = arith.constant 0 : i32
      %dma_start3A_121 = tpu.memref_slice %arg3[%add3A_74, %dma_start3A_120] : memref<2560x128xi32, #tpu.memory_space<hbm>> -> memref<40x128xi32, #tpu.memory_space<hbm>>
      tpu.enqueue_dma source(%dma_start3A_121 : memref<40x128xi32, #tpu.memory_space<hbm>>) target(%arg6 : memref<40x128xi32, #tpu.memory_space<vmem>>) target_semaphore(%run_scoped3A_117 : memref<!tpu.dma_semaphore, #tpu.memory_space<semaphore_mem>>)
      %dma_wait3A = arith.constant 0 : i32
      %dma_wait3A_122 = tpu.memref_slice %arg3[%add3A_74, %dma_wait3A] : memref<2560x128xi32, #tpu.memory_space<hbm>> -> memref<40x128xi32, #tpu.memory_space<hbm>>
      %dma_wait3A_123 = arith.constant 0 : i32
      %dma_wait3A_124 = tpu.memref_slice %arg3[%add3A_74, %dma_wait3A_123] : memref<2560x128xi32, #tpu.memory_space<hbm>> -> memref<40x128xi32, #tpu.memory_space<hbm>>
      tpu.wait_dma2 semaphore(%run_scoped3A_117 : memref<!tpu.dma_semaphore, #tpu.memory_space<semaphore_mem>>) src(%dma_wait3A_124 : memref<40x128xi32, #tpu.memory_space<hbm>>) dst(%arg6 : memref<40x128xi32, #tpu.memory_space<vmem>>)
      tpu.yield
    }) : () -> ()
    "tpu.region"() ({
      %run_scoped3A_117 = tpu.sem_alloc : memref<!tpu.dma_semaphore, #tpu.memory_space<semaphore_mem>>
      %dma_start3A_118 = arith.constant 0 : i32
      %dma_start3A_119 = tpu.memref_slice %arg4[%add3A_74, %dma_start3A_118] : memref<2560x128xi32, #tpu.memory_space<hbm>> -> memref<40x128xi32, #tpu.memory_space<hbm>>
      %dma_start3A_120 = arith.constant 0 : i32
      %dma_start3A_121 = tpu.memref_slice %arg4[%add3A_74, %dma_start3A_120] : memref<2560x128xi32, #tpu.memory_space<hbm>> -> memref<40x128xi32, #tpu.memory_space<hbm>>
      tpu.enqueue_dma source(%dma_start3A_121 : memref<40x128xi32, #tpu.memory_space<hbm>>) target(%arg7 : memref<40x128xi32, #tpu.memory_space<vmem>>) target_semaphore(%run_scoped3A_117 : memref<!tpu.dma_semaphore, #tpu.memory_space<semaphore_mem>>)
      %dma_wait3A = arith.constant 0 : i32
      %dma_wait3A_122 = tpu.memref_slice %arg4[%add3A_74, %dma_wait3A] : memref<2560x128xi32, #tpu.memory_space<hbm>> -> memref<40x128xi32, #tpu.memory_space<hbm>>
      %dma_wait3A_123 = arith.constant 0 : i32
      %dma_wait3A_124 = tpu.memref_slice %arg4[%add3A_74, %dma_wait3A_123] : memref<2560x128xi32, #tpu.memory_space<hbm>> -> memref<40x128xi32, #tpu.memory_space<hbm>>
      tpu.wait_dma2 semaphore(%run_scoped3A_117 : memref<!tpu.dma_semaphore, #tpu.memory_space<semaphore_mem>>) src(%dma_wait3A_124 : memref<40x128xi32, #tpu.memory_space<hbm>>) dst(%arg7 : memref<40x128xi32, #tpu.memory_space<vmem>>)
      tpu.yield
    }) : () -> ()
    %dma_start3A_75 = arith.constant 0 : i32
    %dma_start3A_76 = arith.constant 0 : i32
    %dma_start3A_77 = arith.constant 0 : i32
    %dma_start3A_78 = arith.constant 0 : i32
    %dma_start3A_79 = arith.constant 0 : i32
    %dma_start3A_80 = tpu.memref_slice %arg8[%dma_start3A_76, %dma_start3A_78, %dma_start3A_79] : memref<2x128x128xf32, #tpu.memory_space<vmem>> -> memref<1x128x128xf32, #tpu.memory_space<vmem>>
    %dma_start3A_81 = tpu.memref_squeeze %dma_start3A_80 : memref<1x128x128xf32, #tpu.memory_space<vmem>> -> memref<128x128xf32, #tpu.memory_space<vmem>>
    %dma_start3A_82 = arith.constant 0 : i32
    %dma_start3A_83 = tpu.memref_slice %arg6[%dma_start3A_75, %dma_start3A_82] : memref<40x128xi32, #tpu.memory_space<vmem>> -> memref<1x128xi32, #tpu.memory_space<vmem>>
    %dma_start3A_84 = tpu.memref_squeeze %dma_start3A_83 : memref<1x128xi32, #tpu.memory_space<vmem>> -> memref<128xi32, #tpu.memory_space<vmem>>
    %dma_start3A_85 = arith.constant 0 : i32
    %dma_start3A_86 = arith.constant 0 : i32
    %dma_start3A_87 = tpu.memref_slice %arg2[%dma_start3A_85, %dma_start3A_86] : memref<10240x128xf32, #tpu.memory_space<hbm>> -> memref<10240x128xf32, #tpu.memory_space<hbm>>
    %dma_start3A_88 = tpu.memref_slice %arg9[%dma_start3A_77] : memref<2x!tpu.dma_semaphore, #tpu.memory_space<semaphore_mem>> -> memref<1x!tpu.dma_semaphore, #tpu.memory_space<semaphore_mem>>
    %dma_start3A_89 = tpu.memref_squeeze %dma_start3A_88 : memref<1x!tpu.dma_semaphore, #tpu.memory_space<semaphore_mem>> -> memref<!tpu.dma_semaphore, #tpu.memory_space<semaphore_mem>>
    tpu.enqueue_indirect_dma source(%dma_start3A_87 : memref<10240x128xf32, #tpu.memory_space<hbm>>) target(%dma_start3A_81 : memref<128x128xf32, #tpu.memory_space<vmem>>) offsets(%dma_start3A_84 : memref<128xi32, #tpu.memory_space<vmem>>) semaphore(%dma_start3A_89 : memref<!tpu.dma_semaphore, #tpu.memory_space<semaphore_mem>>)
    %dma_start3A_90 = arith.constant 1 : i32
    %dma_start3A_91 = arith.constant 1 : i32
    %dma_start3A_92 = arith.constant 1 : i32
    %dma_start3A_93 = arith.constant 0 : i32
    %dma_start3A_94 = arith.constant 0 : i32
    %dma_start3A_95 = tpu.memref_slice %arg8[%dma_start3A_91, %dma_start3A_93, %dma_start3A_94] : memref<2x128x128xf32, #tpu.memory_space<vmem>> -> memref<1x128x128xf32, #tpu.memory_space<vmem>>
    %dma_start3A_96 = tpu.memref_squeeze %dma_start3A_95 : memref<1x128x128xf32, #tpu.memory_space<vmem>> -> memref<128x128xf32, #tpu.memory_space<vmem>>
    %dma_start3A_97 = arith.constant 0 : i32
    %dma_start3A_98 = tpu.memref_slice %arg6[%dma_start3A_90, %dma_start3A_97] : memref<40x128xi32, #tpu.memory_space<vmem>> -> memref<1x128xi32, #tpu.memory_space<vmem>>
    %dma_start3A_99 = tpu.memref_squeeze %dma_start3A_98 : memref<1x128xi32, #tpu.memory_space<vmem>> -> memref<128xi32, #tpu.memory_space<vmem>>
    %dma_start3A_100 = arith.constant 0 : i32
    %dma_start3A_101 = arith.constant 0 : i32
    %dma_start3A_102 = tpu.memref_slice %arg2[%dma_start3A_100, %dma_start3A_101] : memref<10240x128xf32, #tpu.memory_space<hbm>> -> memref<10240x128xf32, #tpu.memory_space<hbm>>
    %dma_start3A_103 = tpu.memref_slice %arg9[%dma_start3A_92] : memref<2x!tpu.dma_semaphore, #tpu.memory_space<semaphore_mem>> -> memref<1x!tpu.dma_semaphore, #tpu.memory_space<semaphore_mem>>
    %dma_start3A_104 = tpu.memref_squeeze %dma_start3A_103 : memref<1x!tpu.dma_semaphore, #tpu.memory_space<semaphore_mem>> -> memref<!tpu.dma_semaphore, #tpu.memory_space<semaphore_mem>>
    tpu.enqueue_indirect_dma source(%dma_start3A_102 : memref<10240x128xf32, #tpu.memory_space<hbm>>) target(%dma_start3A_96 : memref<128x128xf32, #tpu.memory_space<vmem>>) offsets(%dma_start3A_99 : memref<128xi32, #tpu.memory_space<vmem>>) semaphore(%dma_start3A_104 : memref<!tpu.dma_semaphore, #tpu.memory_space<semaphore_mem>>)
    %scan3A_105 = arith.constant 0 : i32
    %scan3A_106 = arith.constant 0 : i32
    %scan3A_107 = arith.constant 20 : i32
    %scan3A_108 = arith.addi %scan3A_106, %scan3A_107 : i32
    %scan3A_109 = arith.constant 1 : i32
    %scan3A_110 = scf.for %scan3A_117 = %scan3A_106 to %scan3A_108 step %scan3A_109 iter_args(%scan3A_118 = %scan3A_105) -> (i32)  : i32 {
      %mul3A_119 = arith.constant 2 : i32
      %mul3A_120 = arith.muli %scan3A_117, %mul3A_119 : i32
      %add3A_121 = arith.constant 0 : i32
      %add3A_122 = arith.addi %mul3A_120, %add3A_121 : i32
      %dma_wait3A = arith.constant 0 : i32
      %dma_wait3A_123 = arith.constant 0 : i32
      %dma_wait3A_124 = arith.constant 0 : i32
      %dma_wait3A_125 = arith.constant 0 : i32
      %dma_wait3A_126 = tpu.memref_slice %arg8[%dma_wait3A, %dma_wait3A_124, %dma_wait3A_125] : memref<2x128x128xf32, #tpu.memory_space<vmem>> -> memref<1x128x128xf32, #tpu.memory_space<vmem>>
      %dma_wait3A_127 = tpu.memref_squeeze %dma_wait3A_126 : memref<1x128x128xf32, #tpu.memory_space<vmem>> -> memref<128x128xf32, #tpu.memory_space<vmem>>
      %dma_wait3A_128 = arith.constant 0 : i32
      %dma_wait3A_129 = tpu.memref_slice %arg6[%add3A_122, %dma_wait3A_128] : memref<40x128xi32, #tpu.memory_space<vmem>> -> memref<1x128xi32, #tpu.memory_space<vmem>>
      %dma_wait3A_130 = tpu.memref_squeeze %dma_wait3A_129 : memref<1x128xi32, #tpu.memory_space<vmem>> -> memref<128xi32, #tpu.memory_space<vmem>>
      %dma_wait3A_131 = arith.constant 0 : i32
      %dma_wait3A_132 = arith.constant 0 : i32
      %dma_wait3A_133 = tpu.memref_slice %arg2[%dma_wait3A_131, %dma_wait3A_132] : memref<10240x128xf32, #tpu.memory_space<hbm>> -> memref<10240x128xf32, #tpu.memory_space<hbm>>
      %dma_wait3A_134 = tpu.memref_slice %arg9[%dma_wait3A_123] : memref<2x!tpu.dma_semaphore, #tpu.memory_space<semaphore_mem>> -> memref<1x!tpu.dma_semaphore, #tpu.memory_space<semaphore_mem>>
      %dma_wait3A_135 = tpu.memref_squeeze %dma_wait3A_134 : memref<1x!tpu.dma_semaphore, #tpu.memory_space<semaphore_mem>> -> memref<!tpu.dma_semaphore, #tpu.memory_space<semaphore_mem>>
      tpu.wait_indirect_dma semaphore(%dma_wait3A_135 : memref<!tpu.dma_semaphore, #tpu.memory_space<semaphore_mem>>) src(%dma_wait3A_133 : memref<10240x128xf32, #tpu.memory_space<hbm>>) dst(%dma_wait3A_127 : memref<128x128xf32, #tpu.memory_space<vmem>>)
      %run_scoped3A_136 = arith.constant 0 : i32
      "tpu.region"() ({
        %run_scoped3A_168 = tpu.sem_alloc : memref<!tpu.dma_semaphore, #tpu.memory_space<semaphore_mem>>
        %dma_start3A_169 = arith.constant 0 : i32
        %dma_start3A_170 = arith.constant 0 : i32
        %dma_start3A_171 = tpu.memref_slice %arg8[%run_scoped3A_136, %dma_start3A_169, %dma_start3A_170] : memref<2x128x128xf32, #tpu.memory_space<vmem>> -> memref<1x128x128xf32, #tpu.memory_space<vmem>>
        %dma_start3A_172 = tpu.memref_squeeze %dma_start3A_171 : memref<1x128x128xf32, #tpu.memory_space<vmem>> -> memref<128x128xf32, #tpu.memory_space<vmem>>
        %dma_start3A_173 = arith.constant 0 : i32
        %dma_start3A_174 = tpu.memref_slice %arg7[%add3A_122, %dma_start3A_173] : memref<40x128xi32, #tpu.memory_space<vmem>> -> memref<1x128xi32, #tpu.memory_space<vmem>>
        %dma_start3A_175 = tpu.memref_squeeze %dma_start3A_174 : memref<1x128xi32, #tpu.memory_space<vmem>> -> memref<128xi32, #tpu.memory_space<vmem>>
        %dma_start3A_176 = arith.constant 0 : i32
        %dma_start3A_177 = arith.constant 0 : i32
        %dma_start3A_178 = tpu.memref_slice %arg11[%dma_start3A_176, %dma_start3A_177] : memref<10240x128xf32, #tpu.memory_space<vmem_shared>> -> memref<10240x128xf32, #tpu.memory_space<vmem_shared>>
        tpu.enqueue_indirect_dma source(%dma_start3A_172 : memref<128x128xf32, #tpu.memory_space<vmem>>) target(%dma_start3A_178 : memref<10240x128xf32, #tpu.memory_space<vmem_shared>>) offsets(%dma_start3A_175 : memref<128xi32, #tpu.memory_space<vmem>>) semaphore(%run_scoped3A_168 : memref<!tpu.dma_semaphore, #tpu.memory_space<semaphore_mem>>) {add = true}
        %dma_wait3A_179 = arith.constant 0 : i32
        %dma_wait3A_180 = arith.constant 0 : i32
        %dma_wait3A_181 = tpu.memref_slice %arg8[%run_scoped3A_136, %dma_wait3A_179, %dma_wait3A_180] : memref<2x128x128xf32, #tpu.memory_space<vmem>> -> memref<1x128x128xf32, #tpu.memory_space<vmem>>
        %dma_wait3A_182 = tpu.memref_squeeze %dma_wait3A_181 : memref<1x128x128xf32, #tpu.memory_space<vmem>> -> memref<128x128xf32, #tpu.memory_space<vmem>>
        %dma_wait3A_183 = arith.constant 0 : i32
        %dma_wait3A_184 = tpu.memref_slice %arg7[%add3A_122, %dma_wait3A_183] : memref<40x128xi32, #tpu.memory_space<vmem>> -> memref<1x128xi32, #tpu.memory_space<vmem>>
        %dma_wait3A_185 = tpu.memref_squeeze %dma_wait3A_184 : memref<1x128xi32, #tpu.memory_space<vmem>> -> memref<128xi32, #tpu.memory_space<vmem>>
        %dma_wait3A_186 = arith.constant 0 : i32
        %dma_wait3A_187 = arith.constant 0 : i32
        %dma_wait3A_188 = tpu.memref_slice %arg11[%dma_wait3A_186, %dma_wait3A_187] : memref<10240x128xf32, #tpu.memory_space<vmem_shared>> -> memref<10240x128xf32, #tpu.memory_space<vmem_shared>>
        tpu.wait_indirect_dma semaphore(%run_scoped3A_168 : memref<!tpu.dma_semaphore, #tpu.memory_space<semaphore_mem>>) src(%dma_wait3A_182 : memref<128x128xf32, #tpu.memory_space<vmem>>) dst(%dma_wait3A_188 : memref<10240x128xf32, #tpu.memory_space<vmem_shared>>)
        tpu.yield
      }) : () -> ()
      %add3A_137 = arith.constant 2 : i32
      %add3A_138 = arith.addi %add3A_122, %add3A_137 : i32
      %lt3A = arith.constant 40 : i32
      %lt3A_139 = arith.cmpi slt, %add3A_138, %lt3A : i32
      %convert_element_type3A = arith.extui %lt3A_139 : i1 to i32
      %cond3A = arith.constant 0 : i32
      %cond3A_140 = arith.cmpi ne, %convert_element_type3A, %cond3A : i32
      scf.if %cond3A_140 {
        %dma_start3A_168 = arith.constant 0 : i32
        %dma_start3A_169 = arith.constant 0 : i32
        %dma_start3A_170 = arith.constant 0 : i32
        %dma_start3A_171 = arith.constant 0 : i32
        %dma_start3A_172 = tpu.memref_slice %arg8[%dma_start3A_168, %dma_start3A_170, %dma_start3A_171] : memref<2x128x128xf32, #tpu.memory_space<vmem>> -> memref<1x128x128xf32, #tpu.memory_space<vmem>>
        %dma_start3A_173 = tpu.memref_squeeze %dma_start3A_172 : memref<1x128x128xf32, #tpu.memory_space<vmem>> -> memref<128x128xf32, #tpu.memory_space<vmem>>
        %dma_start3A_174 = arith.constant 0 : i32
        %dma_start3A_175 = tpu.memref_slice %arg6[%add3A_138, %dma_start3A_174] : memref<40x128xi32, #tpu.memory_space<vmem>> -> memref<1x128xi32, #tpu.memory_space<vmem>>
        %dma_start3A_176 = tpu.memref_squeeze %dma_start3A_175 : memref<1x128xi32, #tpu.memory_space<vmem>> -> memref<128xi32, #tpu.memory_space<vmem>>
        %dma_start3A_177 = arith.constant 0 : i32
        %dma_start3A_178 = arith.constant 0 : i32
        %dma_start3A_179 = tpu.memref_slice %arg2[%dma_start3A_177, %dma_start3A_178] : memref<10240x128xf32, #tpu.memory_space<hbm>> -> memref<10240x128xf32, #tpu.memory_space<hbm>>
        %dma_start3A_180 = tpu.memref_slice %arg9[%dma_start3A_169] : memref<2x!tpu.dma_semaphore, #tpu.memory_space<semaphore_mem>> -> memref<1x!tpu.dma_semaphore, #tpu.memory_space<semaphore_mem>>
        %dma_start3A_181 = tpu.memref_squeeze %dma_start3A_180 : memref<1x!tpu.dma_semaphore, #tpu.memory_space<semaphore_mem>> -> memref<!tpu.dma_semaphore, #tpu.memory_space<semaphore_mem>>
        tpu.enqueue_indirect_dma source(%dma_start3A_179 : memref<10240x128xf32, #tpu.memory_space<hbm>>) target(%dma_start3A_173 : memref<128x128xf32, #tpu.memory_space<vmem>>) offsets(%dma_start3A_176 : memref<128xi32, #tpu.memory_space<vmem>>) semaphore(%dma_start3A_181 : memref<!tpu.dma_semaphore, #tpu.memory_space<semaphore_mem>>)
      } else {
      }
      %mul3A_141 = arith.constant 2 : i32
      %mul3A_142 = arith.muli %scan3A_117, %mul3A_141 : i32
      %add3A_143 = arith.constant 1 : i32
      %add3A_144 = arith.addi %mul3A_142, %add3A_143 : i32
      %dma_wait3A_145 = arith.constant 1 : i32
      %dma_wait3A_146 = arith.constant 1 : i32
      %dma_wait3A_147 = arith.constant 0 : i32
      %dma_wait3A_148 = arith.constant 0 : i32
      %dma_wait3A_149 = tpu.memref_slice %arg8[%dma_wait3A_145, %dma_wait3A_147, %dma_wait3A_148] : memref<2x128x128xf32, #tpu.memory_space<vmem>> -> memref<1x128x128xf32, #tpu.memory_space<vmem>>
      %dma_wait3A_150 = tpu.memref_squeeze %dma_wait3A_149 : memref<1x128x128xf32, #tpu.memory_space<vmem>> -> memref<128x128xf32, #tpu.memory_space<vmem>>
      %dma_wait3A_151 = arith.constant 0 : i32
      %dma_wait3A_152 = tpu.memref_slice %arg6[%add3A_144, %dma_wait3A_151] : memref<40x128xi32, #tpu.memory_space<vmem>> -> memref<1x128xi32, #tpu.memory_space<vmem>>
      %dma_wait3A_153 = tpu.memref_squeeze %dma_wait3A_152 : memref<1x128xi32, #tpu.memory_space<vmem>> -> memref<128xi32, #tpu.memory_space<vmem>>
      %dma_wait3A_154 = arith.constant 0 : i32
      %dma_wait3A_155 = arith.constant 0 : i32
      %dma_wait3A_156 = tpu.memref_slice %arg2[%dma_wait3A_154, %dma_wait3A_155] : memref<10240x128xf32, #tpu.memory_space<hbm>> -> memref<10240x128xf32, #tpu.memory_space<hbm>>
      %dma_wait3A_157 = tpu.memref_slice %arg9[%dma_wait3A_146] : memref<2x!tpu.dma_semaphore, #tpu.memory_space<semaphore_mem>> -> memref<1x!tpu.dma_semaphore, #tpu.memory_space<semaphore_mem>>
      %dma_wait3A_158 = tpu.memref_squeeze %dma_wait3A_157 : memref<1x!tpu.dma_semaphore, #tpu.memory_space<semaphore_mem>> -> memref<!tpu.dma_semaphore, #tpu.memory_space<semaphore_mem>>
      tpu.wait_indirect_dma semaphore(%dma_wait3A_158 : memref<!tpu.dma_semaphore, #tpu.memory_space<semaphore_mem>>) src(%dma_wait3A_156 : memref<10240x128xf32, #tpu.memory_space<hbm>>) dst(%dma_wait3A_150 : memref<128x128xf32, #tpu.memory_space<vmem>>)
      %run_scoped3A_159 = arith.constant 1 : i32
      "tpu.region"() ({
        %run_scoped3A_168 = tpu.sem_alloc : memref<!tpu.dma_semaphore, #tpu.memory_space<semaphore_mem>>
        %dma_start3A_169 = arith.constant 0 : i32
        %dma_start3A_170 = arith.constant 0 : i32
        %dma_start3A_171 = tpu.memref_slice %arg8[%run_scoped3A_159, %dma_start3A_169, %dma_start3A_170] : memref<2x128x128xf32, #tpu.memory_space<vmem>> -> memref<1x128x128xf32, #tpu.memory_space<vmem>>
        %dma_start3A_172 = tpu.memref_squeeze %dma_start3A_171 : memref<1x128x128xf32, #tpu.memory_space<vmem>> -> memref<128x128xf32, #tpu.memory_space<vmem>>
        %dma_start3A_173 = arith.constant 0 : i32
        %dma_start3A_174 = tpu.memref_slice %arg7[%add3A_144, %dma_start3A_173] : memref<40x128xi32, #tpu.memory_space<vmem>> -> memref<1x128xi32, #tpu.memory_space<vmem>>
        %dma_start3A_175 = tpu.memref_squeeze %dma_start3A_174 : memref<1x128xi32, #tpu.memory_space<vmem>> -> memref<128xi32, #tpu.memory_space<vmem>>
        %dma_start3A_176 = arith.constant 0 : i32
        %dma_start3A_177 = arith.constant 0 : i32
        %dma_start3A_178 = tpu.memref_slice %arg11[%dma_start3A_176, %dma_start3A_177] : memref<10240x128xf32, #tpu.memory_space<vmem_shared>> -> memref<10240x128xf32, #tpu.memory_space<vmem_shared>>
        tpu.enqueue_indirect_dma source(%dma_start3A_172 : memref<128x128xf32, #tpu.memory_space<vmem>>) target(%dma_start3A_178 : memref<10240x128xf32, #tpu.memory_space<vmem_shared>>) offsets(%dma_start3A_175 : memref<128xi32, #tpu.memory_space<vmem>>) semaphore(%run_scoped3A_168 : memref<!tpu.dma_semaphore, #tpu.memory_space<semaphore_mem>>) {add = true}
        %dma_wait3A_179 = arith.constant 0 : i32
        %dma_wait3A_180 = arith.constant 0 : i32
        %dma_wait3A_181 = tpu.memref_slice %arg8[%run_scoped3A_159, %dma_wait3A_179, %dma_wait3A_180] : memref<2x128x128xf32, #tpu.memory_space<vmem>> -> memref<1x128x128xf32, #tpu.memory_space<vmem>>
        %dma_wait3A_182 = tpu.memref_squeeze %dma_wait3A_181 : memref<1x128x128xf32, #tpu.memory_space<vmem>> -> memref<128x128xf32, #tpu.memory_space<vmem>>
        %dma_wait3A_183 = arith.constant 0 : i32
        %dma_wait3A_184 = tpu.memref_slice %arg7[%add3A_144, %dma_wait3A_183] : memref<40x128xi32, #tpu.memory_space<vmem>> -> memref<1x128xi32, #tpu.memory_space<vmem>>
        %dma_wait3A_185 = tpu.memref_squeeze %dma_wait3A_184 : memref<1x128xi32, #tpu.memory_space<vmem>> -> memref<128xi32, #tpu.memory_space<vmem>>
        %dma_wait3A_186 = arith.constant 0 : i32
        %dma_wait3A_187 = arith.constant 0 : i32
        %dma_wait3A_188 = tpu.memref_slice %arg11[%dma_wait3A_186, %dma_wait3A_187] : memref<10240x128xf32, #tpu.memory_space<vmem_shared>> -> memref<10240x128xf32, #tpu.memory_space<vmem_shared>>
        tpu.wait_indirect_dma semaphore(%run_scoped3A_168 : memref<!tpu.dma_semaphore, #tpu.memory_space<semaphore_mem>>) src(%dma_wait3A_182 : memref<128x128xf32, #tpu.memory_space<vmem>>) dst(%dma_wait3A_188 : memref<10240x128xf32, #tpu.memory_space<vmem_shared>>)
        tpu.yield
      }) : () -> ()
      %add3A_160 = arith.constant 2 : i32
      %add3A_161 = arith.addi %add3A_144, %add3A_160 : i32
      %lt3A_162 = arith.constant 40 : i32
      %lt3A_163 = arith.cmpi slt, %add3A_161, %lt3A_162 : i32
      %convert_element_type3A_164 = arith.extui %lt3A_163 : i1 to i32
      %cond3A_165 = arith.constant 0 : i32
      %cond3A_166 = arith.cmpi ne, %convert_element_type3A_164, %cond3A_165 : i32
      scf.if %cond3A_166 {
        %dma_start3A_168 = arith.constant 1 : i32
        %dma_start3A_169 = arith.constant 1 : i32
        %dma_start3A_170 = arith.constant 0 : i32
        %dma_start3A_171 = arith.constant 0 : i32
        %dma_start3A_172 = tpu.memref_slice %arg8[%dma_start3A_168, %dma_start3A_170, %dma_start3A_171] : memref<2x128x128xf32, #tpu.memory_space<vmem>> -> memref<1x128x128xf32, #tpu.memory_space<vmem>>
        %dma_start3A_173 = tpu.memref_squeeze %dma_start3A_172 : memref<1x128x128xf32, #tpu.memory_space<vmem>> -> memref<128x128xf32, #tpu.memory_space<vmem>>
        %dma_start3A_174 = arith.constant 0 : i32
        %dma_start3A_175 = tpu.memref_slice %arg6[%add3A_161, %dma_start3A_174] : memref<40x128xi32, #tpu.memory_space<vmem>> -> memref<1x128xi32, #tpu.memory_space<vmem>>
        %dma_start3A_176 = tpu.memref_squeeze %dma_start3A_175 : memref<1x128xi32, #tpu.memory_space<vmem>> -> memref<128xi32, #tpu.memory_space<vmem>>
        %dma_start3A_177 = arith.constant 0 : i32
        %dma_start3A_178 = arith.constant 0 : i32
        %dma_start3A_179 = tpu.memref_slice %arg2[%dma_start3A_177, %dma_start3A_178] : memref<10240x128xf32, #tpu.memory_space<hbm>> -> memref<10240x128xf32, #tpu.memory_space<hbm>>
        %dma_start3A_180 = tpu.memref_slice %arg9[%dma_start3A_169] : memref<2x!tpu.dma_semaphore, #tpu.memory_space<semaphore_mem>> -> memref<1x!tpu.dma_semaphore, #tpu.memory_space<semaphore_mem>>
        %dma_start3A_181 = tpu.memref_squeeze %dma_start3A_180 : memref<1x!tpu.dma_semaphore, #tpu.memory_space<semaphore_mem>> -> memref<!tpu.dma_semaphore, #tpu.memory_space<semaphore_mem>>
        tpu.enqueue_indirect_dma source(%dma_start3A_179 : memref<10240x128xf32, #tpu.memory_space<hbm>>) target(%dma_start3A_173 : memref<128x128xf32, #tpu.memory_space<vmem>>) offsets(%dma_start3A_176 : memref<128xi32, #tpu.memory_space<vmem>>) semaphore(%dma_start3A_181 : memref<!tpu.dma_semaphore, #tpu.memory_space<semaphore_mem>>)
      } else {
      }
      %scan3A_167 = arith.constant 0 : i32
      scf.yield %scan3A_167 : i32
    }
    %scan3A_111 = arith.constant 20 : i32
    %barrier3A_112 = arith.constant 0 : index
    tpu.barrier barrier_id(%barrier3A_112)
    %mul3A_113 = arith.constant 640 : i32
    %mul3A_114 = arith.muli %arg1, %mul3A_113 : i32
    %mul3A_115 = arith.constant 640 : i32
    %mul3A_116 = arith.muli %arg1, %mul3A_115 : i32
    "tpu.region"() ({
      %run_scoped3A_117 = tpu.sem_alloc : memref<!tpu.dma_semaphore, #tpu.memory_space<semaphore_mem>>
      %dma_start3A_118 = arith.constant 0 : i32
      %dma_start3A_119 = tpu.memref_slice %arg5[%arg0, %mul3A_116, %dma_start3A_118] : memref<2x10240x128xf32, #tpu.memory_space<hbm>> -> memref<1x640x128xf32, #tpu.memory_space<hbm>>
      %dma_start3A_120 = tpu.memref_squeeze %dma_start3A_119 : memref<1x640x128xf32, #tpu.memory_space<hbm>> -> memref<640x128xf32, #tpu.memory_space<hbm>>
      %dma_start3A_121 = arith.constant 0 : i32
      %dma_start3A_122 = tpu.memref_slice %arg11[%mul3A_114, %dma_start3A_121] : memref<10240x128xf32, #tpu.memory_space<vmem_shared>> -> memref<640x128xf32, #tpu.memory_space<vmem_shared>>
      tpu.enqueue_dma source(%dma_start3A_122 : memref<640x128xf32, #tpu.memory_space<vmem_shared>>) target(%dma_start3A_120 : memref<640x128xf32, #tpu.memory_space<hbm>>) target_semaphore(%run_scoped3A_117 : memref<!tpu.dma_semaphore, #tpu.memory_space<semaphore_mem>>)
      %dma_wait3A = arith.constant 0 : i32
      %dma_wait3A_123 = tpu.memref_slice %arg5[%arg0, %mul3A_116, %dma_wait3A] : memref<2x10240x128xf32, #tpu.memory_space<hbm>> -> memref<1x640x128xf32, #tpu.memory_space<hbm>>
      %dma_wait3A_124 = tpu.memref_squeeze %dma_wait3A_123 : memref<1x640x128xf32, #tpu.memory_space<hbm>> -> memref<640x128xf32, #tpu.memory_space<hbm>>
      %dma_wait3A_125 = arith.constant 0 : i32
      %dma_wait3A_126 = tpu.memref_slice %arg11[%mul3A_114, %dma_wait3A_125] : memref<10240x128xf32, #tpu.memory_space<vmem_shared>> -> memref<640x128xf32, #tpu.memory_space<vmem_shared>>
      tpu.wait_dma2 semaphore(%run_scoped3A_117 : memref<!tpu.dma_semaphore, #tpu.memory_space<semaphore_mem>>) src(%dma_wait3A_126 : memref<640x128xf32, #tpu.memory_space<vmem_shared>>) dst(%dma_wait3A_124 : memref<640x128xf32, #tpu.memory_space<hbm>>)
      tpu.yield
    }) : () -> ()
    return
  }
}

module attributes {stable_mosaic.version = 14 : i64} {
  func.func @_scale_body(%arg0: i32, %arg1: memref<5120x128xf32, #tpu.memory_space<vmem>>, %arg2: memref<1x32x5120xf32, #tpu.memory_space<vmem>>, %arg3: memref<5120x128xf32, #tpu.memory_space<vmem>>) attributes {dimension_semantics = [#tpu.dimension_semantics<arbitrary>], iteration_bounds = array<i64: 2>, scalar_prefetch = 0 : i64, scratch_operands = 0 : i64, tpu.core_type = #tpu.core_type<tc>, window_params = [{transform_indices = @transform_0, window_bounds = array<i64: 5120, 128>}, {transform_indices = @transform_1, window_bounds = array<i64: 1, 32, 5120>}, {transform_indices = @transform_2, window_bounds = array<i64: 5120, 128>}]} {
    %get3A = arith.constant 0 : index
    %get3A_0 = arith.constant 0 : index
    %get3A_1 = arith.constant 0 : index
    %get3A_2 = vector.load %arg2[%get3A, %get3A_0, %get3A_1] : memref<1x32x5120xf32, #tpu.memory_space<vmem>>, vector<1x32x5120xf32>
    %get3A_3 = vector.shape_cast %get3A_2 : vector<1x32x5120xf32> to vector<32x5120xf32>
    %reduce_sum3A = arith.constant dense<0.000000e+00> : vector<5120xf32>
    %reduce_sum3A_4 = vector.multi_reduction <add>, %get3A_3, %reduce_sum3A [0] : vector<32x5120xf32> to vector<5120xf32>
    %max3A = arith.constant 1.000000e+00 : f32
    %max3A_5 = vector.broadcast %max3A : f32 to vector<5120xf32>
    %max3A_6 = arith.maximumf %reduce_sum3A_4, %max3A_5 : vector<5120xf32>
    %rsqrt3A = math.rsqrt %max3A_6 : vector<5120xf32>
    %get3A_7 = arith.constant 0 : index
    %get3A_8 = arith.constant 0 : index
    %get3A_9 = vector.load %arg1[%get3A_7, %get3A_8] : memref<5120x128xf32, #tpu.memory_space<vmem>>, vector<5120x128xf32>
    %broadcast_in_dim3A = vector.shape_cast %rsqrt3A : vector<5120xf32> to vector<5120x1xf32>
    %mul3A = vector.broadcast %broadcast_in_dim3A : vector<5120x1xf32> to vector<5120x128xf32>
    %mul3A_10 = arith.mulf %get3A_9, %mul3A : vector<5120x128xf32>
    %swap3A = arith.constant 0 : index
    %swap3A_11 = arith.constant 0 : index
    %swap3A_12 = vector.load %arg3[%swap3A, %swap3A_11] : memref<5120x128xf32, #tpu.memory_space<vmem>>, vector<5120x128xf32>
    tpu.vector_store %arg3[%swap3A, %swap3A_11], %mul3A_10 {strides = array<i32>} : memref<5120x128xf32, #tpu.memory_space<vmem>>, vector<5120x128xf32>,
    return
  }
  func.func @transform_0(%arg0: i32) -> (i32, i32) {
    %c0_i32 = arith.constant 0 : i32
    %c0_i32_0 = arith.constant 0 : i32
    return %arg0, %c0_i32 : i32, i32
  }
  func.func @transform_1(%arg0: i32) -> (i32, i32, i32) {
    %c0_i32 = arith.constant 0 : i32
    %c0_i32_0 = arith.constant 0 : i32
    %c0_i32_1 = arith.constant 0 : i32
    return %c0_i32, %c0_i32_0, %arg0 : i32, i32, i32
  }
  func.func @transform_2(%arg0: i32) -> (i32, i32) {
    %c0_i32 = arith.constant 0 : i32
    %c0_i32_0 = arith.constant 0 : i32
    return %arg0, %c0_i32 : i32, i32
  }
}

module attributes {stable_mosaic.version = 14 : i64} {
  func.func @_mm_body(%arg0: i32, %arg1: memref<5120x128xf32, #tpu.memory_space<vmem>>, %arg2: memref<128x128xf32, #tpu.memory_space<vmem>>, %arg3: memref<128xf32, #tpu.memory_space<vmem>>, %arg4: memref<5120x128xf32, #tpu.memory_space<vmem>>) attributes {dimension_semantics = [#tpu.dimension_semantics<arbitrary>], iteration_bounds = array<i64: 2>, scalar_prefetch = 0 : i64, scratch_operands = 0 : i64, tpu.core_type = #tpu.core_type<tc>, window_params = [{transform_indices = @transform_0, window_bounds = array<i64: 5120, 128>}, {pipeline_mode = #tpu.pipeline_mode<synchronous>, transform_indices = @transform_1, window_bounds = array<i64: 128, 128>}, {pipeline_mode = #tpu.pipeline_mode<synchronous>, transform_indices = @transform_2, window_bounds = array<i64: 128>}, {transform_indices = @transform_3, window_bounds = array<i64: 5120, 128>}]} {
    %get3A = arith.constant 0 : index
    %get3A_0 = arith.constant 0 : index
    %get3A_1 = vector.load %arg1[%get3A, %get3A_0] : memref<5120x128xf32, #tpu.memory_space<vmem>>, vector<5120x128xf32>
    %get3A_2 = arith.constant 0 : index
    %get3A_3 = arith.constant 0 : index
    %get3A_4 = vector.load %arg2[%get3A_2, %get3A_3] : memref<128x128xf32, #tpu.memory_space<vmem>>, vector<128x128xf32>
    %dot_general3A = arith.constant dense<0.000000e+00> : vector<5120x128xf32>
    %dot_general3A_5 = tpu.matmul %get3A_1, %get3A_4, %dot_general3A {dimension_numbers = #tpu.dot_dimension_numbers<[1], [0], [0], [1], [0, 0, 1, 1], [], []>, transpose_lhs_hint = false} : vector<5120x128xf32>, vector<128x128xf32>, vector<5120x128xf32> -> vector<5120x128xf32>
    %get3A_6 = arith.constant 0 : index
    %get3A_7 = vector.load %arg3[%get3A_6] : memref<128xf32, #tpu.memory_space<vmem>>, vector<128xf32>
    %broadcast_in_dim3A = vector.shape_cast %get3A_7 : vector<128xf32> to vector<1x128xf32>
    %add3A = vector.broadcast %broadcast_in_dim3A : vector<1x128xf32> to vector<5120x128xf32>
    %add3A_8 = arith.addf %dot_general3A_5, %add3A : vector<5120x128xf32>
    %swap3A = arith.constant 0 : index
    %swap3A_9 = arith.constant 0 : index
    %swap3A_10 = vector.load %arg4[%swap3A, %swap3A_9] : memref<5120x128xf32, #tpu.memory_space<vmem>>, vector<5120x128xf32>
    tpu.vector_store %arg4[%swap3A, %swap3A_9], %add3A_8 {strides = array<i32>} : memref<5120x128xf32, #tpu.memory_space<vmem>>, vector<5120x128xf32>,
    return
  }
  func.func @transform_0(%arg0: i32) -> (i32, i32) {
    %c0_i32 = arith.constant 0 : i32
    %c0_i32_0 = arith.constant 0 : i32
    return %arg0, %c0_i32 : i32, i32
  }
  func.func @transform_1(%arg0: i32) -> (i32, i32) {
    %c0_i32 = arith.constant 0 : i32
    %c0_i32_0 = arith.constant 0 : i32
    %c0_i32_1 = arith.constant 0 : i32
    return %c0_i32, %c0_i32_0 : i32, i32
  }
  func.func @transform_2(%arg0: i32) -> i32 {
    %c0_i32 = arith.constant 0 : i32
    %c0_i32_0 = arith.constant 0 : i32
    return %c0_i32 : i32
  }
  func.func @transform_3(%arg0: i32) -> (i32, i32) {
    %c0_i32 = arith.constant 0 : i32
    %c0_i32_0 = arith.constant 0 : i32
    return %arg0, %c0_i32 : i32, i32
  }
}

module attributes {stable_mosaic.version = 14 : i64} {
  func.func @_fin_body(%arg0: i32, %arg1: memref<2x5120x128xf32, #tpu.memory_space<vmem>>, %arg2: memref<1x32x5120xf32, #tpu.memory_space<vmem>>, %arg3: memref<5120x128xf32, #tpu.memory_space<vmem>>) attributes {dimension_semantics = [#tpu.dimension_semantics<arbitrary>], iteration_bounds = array<i64: 2>, scalar_prefetch = 0 : i64, scratch_operands = 0 : i64, tpu.core_type = #tpu.core_type<tc>, window_params = [{transform_indices = @transform_0, window_bounds = array<i64: 2, 5120, 128>}, {transform_indices = @transform_1, window_bounds = array<i64: 1, 32, 5120>}, {transform_indices = @transform_2, window_bounds = array<i64: 5120, 128>}]} {
    %get3A = arith.constant 0 : index
    %get3A_0 = arith.constant 0 : index
    %get3A_1 = arith.constant 0 : index
    %get3A_2 = vector.load %arg1[%get3A, %get3A_0, %get3A_1] : memref<2x5120x128xf32, #tpu.memory_space<vmem>>, vector<1x5120x128xf32>
    %get3A_3 = vector.shape_cast %get3A_2 : vector<1x5120x128xf32> to vector<5120x128xf32>
    %get3A_4 = arith.constant 1 : index
    %get3A_5 = arith.constant 0 : index
    %get3A_6 = arith.constant 0 : index
    %get3A_7 = vector.load %arg1[%get3A_4, %get3A_5, %get3A_6] : memref<2x5120x128xf32, #tpu.memory_space<vmem>>, vector<1x5120x128xf32>
    %get3A_8 = vector.shape_cast %get3A_7 : vector<1x5120x128xf32> to vector<5120x128xf32>
    %add3A = arith.addf %get3A_3, %get3A_8 : vector<5120x128xf32>
    %get3A_9 = arith.constant 0 : index
    %get3A_10 = arith.constant 0 : index
    %get3A_11 = arith.constant 0 : index
    %get3A_12 = vector.load %arg2[%get3A_9, %get3A_10, %get3A_11] : memref<1x32x5120xf32, #tpu.memory_space<vmem>>, vector<1x32x5120xf32>
    %get3A_13 = vector.shape_cast %get3A_12 : vector<1x32x5120xf32> to vector<32x5120xf32>
    %reduce_sum3A = arith.constant dense<0.000000e+00> : vector<5120xf32>
    %reduce_sum3A_14 = vector.multi_reduction <add>, %get3A_13, %reduce_sum3A [0] : vector<32x5120xf32> to vector<5120xf32>
    %max3A = arith.constant 1.000000e+00 : f32
    %max3A_15 = vector.broadcast %max3A : f32 to vector<5120xf32>
    %max3A_16 = arith.maximumf %reduce_sum3A_14, %max3A_15 : vector<5120xf32>
    %rsqrt3A = math.rsqrt %max3A_16 : vector<5120xf32>
    %broadcast_in_dim3A = vector.shape_cast %rsqrt3A : vector<5120xf32> to vector<5120x1xf32>
    %mul3A = vector.broadcast %broadcast_in_dim3A : vector<5120x1xf32> to vector<5120x128xf32>
    %mul3A_17 = arith.mulf %add3A, %mul3A : vector<5120x128xf32>
    %swap3A = arith.constant 0 : index
    %swap3A_18 = arith.constant 0 : index
    %swap3A_19 = vector.load %arg3[%swap3A, %swap3A_18] : memref<5120x128xf32, #tpu.memory_space<vmem>>, vector<5120x128xf32>
    tpu.vector_store %arg3[%swap3A, %swap3A_18], %mul3A_17 {strides = array<i32>} : memref<5120x128xf32, #tpu.memory_space<vmem>>, vector<5120x128xf32>,
    return
  }
  func.func @transform_0(%arg0: i32) -> (i32, i32, i32) {
    %c0_i32 = arith.constant 0 : i32
    %c0_i32_0 = arith.constant 0 : i32
    %c0_i32_1 = arith.constant 0 : i32
    return %c0_i32, %arg0, %c0_i32_0 : i32, i32, i32
  }
  func.func @transform_1(%arg0: i32) -> (i32, i32, i32) {
    %c1_i32 = arith.constant 1 : i32
    %c0_i32 = arith.constant 0 : i32
    %c0_i32_0 = arith.constant 0 : i32
    return %c1_i32, %c0_i32, %arg0 : i32, i32, i32
  }
  func.func @transform_2(%arg0: i32) -> (i32, i32) {
    %c0_i32 = arith.constant 0 : i32
    %c0_i32_0 = arith.constant 0 : i32
    return %arg0, %c0_i32 : i32, i32
  }
}

</mosaic_0001>

<sc_bundles>
// kernel: kernel.10.cloned.1.call-start
scs
__scs_entry_jumppad:
0x0: {  	(pc) =	sbr.rel $0x88, $3  }
0x1: {  	(tag) =	ssettag $0x0;
	lr =	simm.s32 $0x1  }
0x2: {  	[smem:$0x3F9D] =	sst lr;
	_ =	strace $0xD0000000  }
0x3: {  	_ = 	snop  }
0x4: {  	_ = 	snop  }
0x5: {  	_ = 	snop  }
0x6: {  	_ = 	snop  }
0x7: {  	_ = 	snop  }
__scs_overlays_trampoline_lowered:
0x8: {  	[smem:$0x3FAC] =	sst s0  }
0x9: {  	[smem:$0x3FAD] =	sst s1  }
0xa: {  	[smem:$0x3FAE] =	sst s2  }
0xb: {  	[smem:$0x3FAF] =	sst s3  }
0xc: {  	[smem:$0x3FB0] =	sst s4  }
0xd: {  	[smem:$0x3FB1] =	sst s5  }
0xe: {  	[smem:$0x3FB2] =	sst s6  }
0xf: {  	[smem:$0x3FB3] =	sst s7  }
0x10: {  	[smem:$0x3FB4] =	sst s8  }
0x11: {  	[smem:$0x3FB5] =	sst s9;
	s0 =	simm.s32 @!p0 $0x0  }
0x12: {  	s1 =	sld [smem:$0x3F9B];
	s0 =	simm.s32 @p0 $0x1  }
0x13: {  	[smem:$0x3FB6] =	sst s0;
	s0 =	simm.s32 @!p1 $0x0  }
0x14: {  	s2 =	sld [smem:$0x3F9A];
	s0 =	simm.s32 @p1 $0x1  }
0x15: {  	[smem:$0x3FB7] =	sst s0;
	s0 =	simm.s32 @!p2 $0x0  }
0x16: {  	s3 =	sld [smem:$0x3FDB];
	s0 =	simm.s32 @p2 $0x1  }
0x17: {  	s4 =	simm.s32 $0x1BF5;
	[smem:$0x3FB9] =	sst s0  }
0x18: {  	s0 =	sld [smem:$0x3F9C];
	_ =	swait.ge [sflag:s4], $0x0  }
0x19: {  	s7 =	sld [smem:$0x3F9D]  }
0x1a: {  	s8 =	sadd.s32 $0xFFFFE003, lr  }
0x1b: {  	s9 =	sadd.s32 $0xFFFFFEF7, lr;
	s5 =	simm.s32 $0xFFFFFFFF;
	p2 =	slt.u32 s8, $0xFFFFF086  }
0x1c: {  	p1 =	slt.u32 s9, $0xF7A;
	s5 =	simm.s32 @!p2 $0x0  }
0x1d: {  	s5 =	simm.s32 @p1 $0x1;
	p0 =	seq.s32 s7, s2  }
0x1e: {  	s7 =	smul.u32 @!p0 $0xF7A, s2;
	p2 =	seq.s32 @!p0 s5, $0x0  }
0x1f: {  	s9 =	smul.u32 $0xF7A, s1;
	s8 =	simm.s32 @!p0 $0x1BF5;
	p2 =	por !p2, p0  }
0x20: {  	[sflag:s8] =	ssyncset.s32 @!p0 $0xFFFFF086;
	s6 =	sadd.s32 @!p0 s3, s7;
	s7 =	simm.s32 @!p0 $0x108  }
0x21: {  	s3 =	sadd.s32 s3, s9;
	s6 =	sadd.s32 @!p0 $0x88, s6;
	s7 =	simm.s32 @p2 $0x1082  }
0x22: {  	[simem:s7], [sflag:s8] =	dma.local @!p0 [hbm:s6], $0xF7A  }
0x23: {  	s9 =	sor.u32 $0xD0000000, s2;
	s6 =	simm.s32 $0x108;
	_ =	swait.ge @!p0 [sflag:s8], $0x0  }
0x24: {  	s3 =	sadd.s32 $0x88, s3;
	s6 =	simm.s32 @!p1 $0x1082;
	[sflag:s4] =	ssyncset.s32 $0xFFFFF086  }
0x25: {  	[simem:s6], [sflag:s4] =	dma.local [hbm:s3], $0xF7A  }
0x26: {  	[smem:$0x3F9D] =	sst s1;
	(tag) =	ssettag s2;
	_ =	strace s9  }
0x27: {  	s1 =	sld [smem:$0x3FAD]  }
0x28: {  	s2 =	sld [smem:$0x3FAE]  }
0x29: {  	s4 =	sld [smem:$0x3FB0]  }
0x2a: {  	p0 =	seq.s32 s5, $0x0;
	s5 =	sld [smem:$0x3FB1]  }
0x2b: {  	s6 =	sld [smem:$0x3FB2]  }
0x2c: {  	s7 =	sld [smem:$0x3FB3]  }
0x2d: {  	s3 =	simm.s32 $0x108;
	s8 =	sld [smem:$0x3FB4]  }
0x2e: {  	s3 =	simm.s32 @!p0 $0x1082;
	s9 =	sld [smem:$0x3FB5]  }
0x2f: {  	lr =	sadd.s32 s0, s3;
	s0 =	sld [smem:$0x3FAC]  }
0x30: {  	s3 =	sld [smem:$0x3FAF]  }
0x31: {  	[smem:$0x3FB8] =	sst s10  }
0x32: {  	s10 =	sld [smem:$0x3FB6];
	_ =	sdelay $0x3  }
0x33: {  	p0 =	seq.s32 s10, $0x1;
	s10 =	sld [smem:$0x3FB8];
	_ =	sdelay $0x3  }
0x34: {  	[smem:$0x3FB8] =	sst s10  }
0x35: {  	s10 =	sld [smem:$0x3FB7];
	_ =	sdelay $0x3  }
0x36: {  	p1 =	seq.s32 s10, $0x1;
	s10 =	sld [smem:$0x3FB8];
	_ =	sdelay $0x3  }
0x37: {  	[smem:$0x3FB8] =	sst s10  }
0x38: {  	s10 =	sld [smem:$0x3FB9]  }
0x39: {  	_ = 	snop;
	(pc) =	sbr.ind lr, $3  }
0x3a: {  	_ = 	snop  }
0x3b: {  	_ = 	snop  }
0x3c: {  	p2 =	seq.s32 s10, $0x1;
	s10 =	sld [smem:$0x3FB8]  }
0x3d: {  	_ =	shalt  }
0x3e: {  	_ =	shalt  }
0x3f: {  	_ =	shalt  }
0x40: {  	_ =	shalt  }
0x41: {  	_ =	shalt  }
0x42: {  	_ =	shalt  }
0x43: {  	_ =	shalt  }
0x44: {  	_ =	shalt  }
0x45: {  	_ =	shalt  }
0x46: {  	_ =	shalt  }
0x47: {  	_ =	shalt  }
0x48: {  	_ =	shalt  }
0x49: {  	_ =	shalt  }
0x4a: {  	_ =	shalt  }
0x4b: {  	_ =	shalt  }
0x4c: {  	_ =	shalt  }
0x4d: {  	_ =	shalt  }
0x4e: {  	_ =	shalt  }
0x4f: {  	_ =	shalt  }
0x50: {  	_ =	shalt  }
0x51: {  	_ =	shalt  }
0x52: {  	_ =	shalt  }
0x53: {  	_ =	shalt  }
0x54: {  	_ =	shalt  }
0x55: {  	_ =	shalt  }
0x56: {  	_ =	shalt  }
0x57: {  	_ =	shalt  }
0x58: {  	_ =	shalt  }
0x59: {  	_ =	shalt  }
0x5a: {  	_ =	shalt  }
0x5b: {  	_ =	shalt  }
0x5c: {  	_ =	shalt  }
0x5d: {  	_ =	shalt  }
0x5e: {  	_ =	shalt  }
0x5f: {  	_ =	shalt  }
0x60: {  	_ =	shalt  }
0x61: {  	_ =	shalt  }
0x62: {  	_ =	shalt  }
0x63: {  	_ =	shalt  }
0x64: {  	_ =	shalt  }
0x65: {  	_ =	shalt  }
0x66: {  	_ =	shalt  }
0x67: {  	_ =	shalt  }
0x68: {  	_ =	shalt  }
0x69: {  	_ =	shalt  }
0x6a: {  	_ =	shalt  }
0x6b: {  	_ =	shalt  }
0x6c: {  	_ =	shalt  }
0x6d: {  	_ =	shalt  }
0x6e: {  	_ =	shalt  }
0x6f: {  	_ =	shalt  }
0x70: {  	_ =	shalt  }
0x71: {  	_ =	shalt  }
0x72: {  	_ =	shalt  }
0x73: {  	_ =	shalt  }
0x74: {  	_ =	shalt  }
0x75: {  	_ =	shalt  }
0x76: {  	_ =	shalt  }
0x77: {  	_ =	shalt  }
0x78: {  	_ =	shalt  }
0x79: {  	_ =	shalt  }
0x7a: {  	_ =	shalt  }
0x7b: {  	_ =	shalt  }
0x7c: {  	_ =	shalt  }
0x7d: {  	_ =	shalt  }
0x7e: {  	_ =	shalt  }
0x7f: {  	_ =	shalt  }
0x80: {  	_ =	shalt  }
0x81: {  	_ =	shalt  }
0x82: {  	_ =	shalt  }
0x83: {  	_ =	shalt  }
0x84: {  	_ =	shalt  }
0x85: {  	_ =	shalt  }
0x86: {  	_ =	shalt  }
0x87: {  	_ =	shalt  }
.Lfunc_end0:
.L_simem_size_0:
called_computation.1_lowered:
.L_overlay_start_0:
0x88: {  	s2 =	sld [smem:$0x3FD9]  }
0x89: {  	s3 =	sld [smem:$0x3FFE];
	_ =	sdelay $0x1  }
0x8a: {  	s1 =	srdreg.scid  }
0x8b: {  	s0 =	sand.u32 $0x1, s1  }
0x8c: {  	s16 =	sshll.u32 s0, $0xA;
	s2 =	sadd.s32 s3, s2  }
0x8d: {  	s2 =	sadd.s32 s2, s16  }
0x8e: {  	[smem:$0x3FC4] =	sst s2  }
0x8f: {  	_ = 	snop  }
0x90: {  	(tm) =	ssettm $0x1  }
0x91: {  	s17 =	sld [smem:$0x3FFB];
	_ =	sdelay $0x3  }
0x92: {  	_ =	strace s17  }
0x93: {  	s2 =	sld [smem:$0x3FFC];
	_ =	sdelay $0x3  }
0x94: {  	_ =	strace s2  }
0x95: {  	s2 =	sld [smem:$0x3FFD];
	_ =	sdelay $0x3  }
0x96: {  	_ =	strace s2  }
0x97: {  	_ =	strace $0x8FFFFFFF  }
0x98: {  	s18 =	sld [smem:$0x3FDB];
	_ =	sdelay $0x1  }
0x99: {  	s19 =	simm.s32 $_scs_section_size  }
0x9a: {  	s4 =	simm.s32 $_size__tile_overlayer_lowered;
	s5 =	simm.s32 $_tile_overlayer_lowered  }
0x9b: {  	s22 =	simm.s32 $0x1BFF;
	s21 =	sshll.u32 s5, $0x1;
	s2 =	sadd.s32 s19, s18  }
0x9c: {  	s6 =	simm.s32 $0x0;
	s20 =	sshll.u32 s4, $0x1;
	s4 =	sadd.s32 s21, s2  }
0x9d: {  	[timem:s6], [sflag:s22] =	dma.local [hbm:s4], s20  }
0x9e: {  	_ =	swait.ge [sflag:s22], s20  }
0x9f: {  	s3 =	ssub.s32 $0x0, s20;
	[sflag:s22] =	ssyncset.done $0x0  }
0xa0: {  	[sflag:s22] =	ssyncadd.s32 s3;
	_ =	sdelay $0x1  }
0xa1: {  	s23 =	simm.s32 $0x1B8B  }
0xa2: {  	_ =	swait.ge [sflag:s23], $0x1  }
0xa3: {  	[sflag:s23] =	ssyncset.done $0x0  }
0xa4: {  	s25 =	simm.s32 $0x1B8E;
	s24 =	sld [smem:$0x3FFE];
	[sflag:s23] =	ssyncadd.s32 $0xFFFFFFFF  }
0xa5: {  	s26 =	simm.s32 $execute0_lowered;
	[smem:$0x3FD2] =	sst s25  }
0xa6: {  	s4 =	sshll.u32 s26, $0x1;
	_ =	strace $0x80000049;
	[dreg:$0x1] =	wrdreg $0xFFFFFFFF  }
0xa7: {  	s28 =	simm.s32 $_size_execute0_lowered;
	s2 =	sadd.s32 s2, s4;
	[dreg:$0x0] =	wrdreg $0x0  }
0xa8: {  	s4 =	sshll.u32 s28, $0x1;
	[dreg:$0x2] =	wrdreg s2  }
0xa9: {  	[dreg:$0x3] =	wrdreg s4  }
0xaa: {  	[dreg:$0x4] =	wrdreg $0xC0  }
0xab: {  	_ =	task [dreg:s6], $0x5FFFF  }
0xac: {  	[dreg:$0x1] =	wrdreg $0xFFFFFFFF  }
0xad: {  	[dreg:$0x0] =	wrdreg $0x60  }
0xae: {  	[dreg:$0x2] =	wrdreg s24  }
0xaf: {  	[dreg:$0x3] =	wrdreg $0xA8000  }
0xb0: {  	[dreg:$0x4] =	wrdreg $0x9  }
0xb1: {  	_ =	task.clear_ibuf [dreg:s6], $0x5FFFF;
	_ =	strace $0x90000049  }
0xb2: {  	s29 =	simm.s32 $0x9;
	_ =	strace $0x8000004B  }
0xb3: {  	_ =	swait.ge [sflag:s29], $0x1  }
0xb4: {  	[sflag:s29] =	ssyncadd.s32 $0xFFFFFFFF  }
0xb5: {  	_ =	strace $0x9000004B  }
0xb6: {  	_ =	sfence  }
0xb7: {  	s30 =	sld [smem:$0x0];
	_ =	sdelay $0x2  }
0xb8: {  	s31 =	sshll.u32 s1, $0xD;
	s1 =	sshrl.u32 s1, $0x2  }
0xb9: {  	s3 =	sand.u32 $0x4000, s31;
	s1 =	sadd.s32 s1, s30  }
0xba: {  	s0 =	sor.u32 s3, s0;
	s1 =	sshll.u32 s1, $0x11  }
0xbb: {  	s0 =	sor.u32 s1, s0  }
0xbc: {  	s0 =	sadd.s32 $0x8F2B, s0  }
0xbd: {  	[sflag:s0] =	ssyncadd.remote.s32 $0x1  }
0xbe: {  	_ =	sfence.sel $0xFFFF  }
0xbf: {  	[dreg:$0x0] =	wrdreg $0xFFFFFFFF;
	(pc) =	sbr.abs _section_cstart, $3  }
0xc0: {  	[dreg:$0x1] =	wrdreg $0xFFFFFFFF  }
0xc1: {  	_ =	task.clear_ibuf [dreg:s6], $0x2FFFF;
	_ =	strace $0x9FFFFFFF  }
0xc2: {  	(tm) =	ssettm $0x7FFFFFFF  }
0xc3: {  	_ =	shalt  }
tec
execute0_lowered:
.L_overlay_start_1:
0x0: {  	(tag) =	ssettag $0x1  }
0x1: {  	s6 =	rddreg [dreg:$0x0]  }
0x2: {  	s1 =	rddreg [dreg:$0x1];
	s2 =	srdreg.scid  }
0x3: {  	s0 =	rddreg [dreg:$0x2];
	s3 =	simm.s32 $0x0;
	s18 =	simm.s32 $0x1400  }
0x4: {  	s19 =	simm.s32 $0x80;
	s20 =	simm.s32 $0x6800;
	s21 =	simm.s32 $0x1  }
0x5: {  	s22 =	simm.s32 $0x2;
	s23 =	simm.s32 $0x2700;
	s24 =	simm.s32 $0x2780  }
0x6: {  	s5 =	sand.u32 $0x1, s2;
	s2 =	stileid.u32;
	[smem:$0x7FF] =	sst s3  }
0x7: {  	s4 =	sadd.s32 $0x15C00, s6;
	s12 =	sadd.s32 $0xBC00, s6;
	s7 =	smul.u32 $0x140000, s5  }
0x8: {  	s13 =	sadd.s32 $0x1C00, s6;
	s8 =	smul.u32 $0x14000, s2;
	_ =	strace $0x8000004A  }
0x9: {  	s28 =	smul.u32 $0x50000, s2;
	s9 =	sshll.u32 s2, $0x1;
	s10 =	ssub.s32 $0x2, s5  }
0xa: {  	s9 =	sor.u32 s5, s9;
	s30 =	sshrl.u32 s10, $0x1;
	s7 =	sadd.s32 s8, s7  }
0xb: {  	s29 =	sshrl.u32 s28, $0x2;
	s11 =	smul.u32 $0x2800, s9;
	s15 =	ssub.s32 s10, s30  }
0xc: {  	s16 =	smul.u32 $0x500, s9;
	s7 =	sshrl.u32 s7, $0x3;
	s5 =	sadd.s32 s29, s1  }
0xd: {  	s15 =	smax.u32 s15, $0x1;
	s14 =	sadd.s32 s7, s6;
	s6 =	sadd.s32 $0x4000, s5  }
0xe: {  	s7 =	sadd.s32 $0x8000, s5;
	s31 =	sshrl.u32 s11, $0x3;
	s8 =	sadd.s32 $0xC000, s5  }
0xf: {  	s9 =	sadd.s32 $0x10000, s5;
	s10 =	sadd.s32 s12, s16;
	s11 =	sadd.s32 s13, s16  }
0x10: {  	s16 =	simm.s32 $0x2800;
	s17 =	sadd.s32 $0x280, s31;
	s14 =	sadd.s32 $0x3DC00, s14  }
0x11: {  	v0 =	vimm.f32 $0.0e+00;
	s12 =	sadd.s32 s12, s17;
	s13 =	sadd.s32 s13, s17;
	s17 =	simm.s32 $0x3  }
.LBB2_1:
0x12: {  	s25 =	simm.s32 $0x0;
	s26 =	simm.s32 $0x200  }
.LBB2_2:
0x13: {  	p0 =	sne.s32 s26, $0xFE00;
	[tilespmem:s25+$0x2870] =	vst v0  }
0x14: {  	[tilespmem:s25+$0x2800] =	vst v0  }
0x15: {  	[tilespmem:s25+$0x2810] =	vst v0  }
.Ltmp0:
0x16: {  	[tilespmem:s25+$0x2820] =	vst v0;
	(pc) =	sbr.rel @p0 .LBB2_2-.Ltmp0, $4  }
0x17: {  	[tilespmem:s25+$0x2830] =	vst v0  }
0x18: {  	[tilespmem:s25+$0x2840] =	vst v0  }
0x19: {  	[tilespmem:s25+$0x2850] =	vst v0  }
0x1a: {  	[tilespmem:s25+$0x2860] =	vst v0;
	s25 =	sshra.s32 s26, $0x2;
	s26 =	sadd.s32 $0x200, s26  }
0x1b: {  	[tilespmem:s25+$0x2870] =	vst v0  }
0x1c: {  	[tilespmem:s25+$0x2800] =	vst v0  }
0x1d: {  	[tilespmem:s25+$0x2810] =	vst v0  }
0x1e: {  	[tilespmem:s25+$0x2820] =	vst v0  }
0x1f: {  	[tilespmem:s25+$0x2830] =	vst v0  }
0x20: {  	[tilespmem:s25+$0x2840] =	vst v0  }
0x21: {  	[tilespmem:s25+$0x2850] =	vst v0  }
0x22: {  	[tilespmem:s25+$0x2860] =	vst v0  }
0x23: {  	[spmem:s5] =	stream.linear.scatter [tilespmem:s16], [sflag:$0x3], $0x4000, $0x38;
	[tilespmem:$0x1E800] =	vst v63  }
0x24: {  	_ =	swait.ge [sflag:s17], $0x4000  }
0x25: {  	[sflag:s17] =	ssyncset.done $0x0  }
0x26: {  	[sflag:s17] =	ssyncadd.s32 $0xFFFFC000  }
0x27: {  	[spmem:s6] =	stream.linear.scatter [tilespmem:s16], [sflag:$0x3], $0x4000, $0x38;
	[tilespmem:$0x1E800] =	vst v63  }
0x28: {  	_ =	swait.ge [sflag:s17], $0x4000  }
0x29: {  	[sflag:s17] =	ssyncset.done $0x0  }
0x2a: {  	[sflag:s17] =	ssyncadd.s32 $0xFFFFC000  }
0x2b: {  	[spmem:s7] =	stream.linear.scatter [tilespmem:s16], [sflag:$0x3], $0x4000, $0x38;
	[tilespmem:$0x1E800] =	vst v63  }
0x2c: {  	_ =	swait.ge [sflag:s17], $0x4000  }
0x2d: {  	[sflag:s17] =	ssyncset.done $0x0  }
0x2e: {  	[sflag:s17] =	ssyncadd.s32 $0xFFFFC000  }
0x2f: {  	[spmem:s8] =	stream.linear.scatter [tilespmem:s16], [sflag:$0x3], $0x4000, $0x38;
	[tilespmem:$0x1E800] =	vst v63  }
0x30: {  	_ =	swait.ge [sflag:s17], $0x4000  }
0x31: {  	[sflag:s17] =	ssyncset.done $0x0  }
0x32: {  	[sflag:s17] =	ssyncadd.s32 $0xFFFFC000  }
0x33: {  	[spmem:s9] =	stream.linear.scatter [tilespmem:s16], [sflag:$0x3], $0x4000, $0x38;
	[tilespmem:$0x1E800] =	vst v63  }
0x34: {  	_ =	swait.ge [sflag:s17], $0x4000  }
0x35: {  	[sflag:s17] =	ssyncset.done $0x0  }
0x36: {  	[sflag:s17] =	ssyncadd.s32 $0xFFFFC000  }
0x37: {  	s28 =	simm.s32 $0x0;
	[bflag:$0x0] =	sbarrier.arrive $0xFFFF  }
0x38: {  	[tilespmem:s28], [sflag:$0x3] =	stream.linear.gather [hbm4b:s10+s28], $0x1400, $0x38;
	[tilespmem:$0x1E800] =	vst v63  }
0x39: {  	_ =	swait.ge [sflag:s17], $0x1400  }
0x3a: {  	[sflag:s17] =	ssyncset.done $0x0  }
0x3b: {  	[sflag:s17] =	ssyncadd.s32 $0xFFFFEC00  }
0x3c: {  	[tilespmem:s18], [sflag:$0x3] =	stream.linear.gather [hbm4b:s11+s28], $0x1400, $0x38;
	[tilespmem:$0x1E800] =	vst v63  }
0x3d: {  	_ =	swait.ge [sflag:s17], $0x1400  }
0x3e: {  	[sflag:s17] =	ssyncset.done $0x0  }
0x3f: {  	[sflag:s17] =	ssyncadd.s32 $0xFFFFEC00  }
0x40: {  	[tilespmem:s16], [sflag:$0x1] =	stream.indirect.gather [hbm4b:s4+s19], $0x80, s28, s19, $0xb8;
	[tilespmem:$0x1E800] =	vst v63  }
0x41: {  	_ = 	snop  }
0x42: {  	[tilespmem:s20], [sflag:$0x2] =	stream.indirect.gather [hbm4b:s4+s19], $0x80, s19, s19, $0xb8;
	[tilespmem:$0x1E800] =	vst v63  }
0x43: {  	_ =	swait.ge [sflag:s21], $0x4000  }
0x44: {  	[sflag:s21] =	ssyncset.done $0x0  }
0x45: {  	s29 =	simm.s32 $0x1400;
	[sflag:s21] =	ssyncadd.s32 $0xFFFFC000  }
0x46: {  	[spmem:s1] =	stream.indirect.scatter.add.f32 [tilespmem:s16], [sflag:$0x3], $0x80, s29, s19, $0xb8;
	[tilespmem:$0x1E800] =	vst v63  }
0x47: {  	_ =	swait.ge [sflag:s17], $0x4000  }
0x48: {  	[sflag:s17] =	ssyncset.done $0x0  }
0x49: {  	s30 =	simm.s32 $0x100;
	[sflag:s17] =	ssyncadd.s32 $0xFFFFC000  }
0x4a: {  	[tilespmem:s16], [sflag:$0x1] =	stream.indirect.gather [hbm4b:s4+s19], $0x80, s30, s19, $0xb8;
	[tilespmem:$0x1E800] =	vst v63  }
0x4b: {  	_ =	swait.ge [sflag:s22], $0x4000  }
0x4c: {  	[sflag:s22] =	ssyncset.done $0x0  }
0x4d: {  	s31 =	simm.s32 $0x1480;
	[sflag:s22] =	ssyncadd.s32 $0xFFFFC000  }
0x4e: {  	[spmem:s1] =	stream.indirect.scatter.add.f32 [tilespmem:s20], [sflag:$0x3], $0x80, s31, s19, $0xb8;
	[tilespmem:$0x1E800] =	vst v63  }
0x4f: {  	_ =	swait.ge [sflag:s17], $0x4000  }
0x50: {  	[sflag:s17] =	ssyncset.done $0x0  }
0x51: {  	s25 =	simm.s32 $0x400;
	s26 =	simm.s32 $0x180;
	[sflag:s17] =	ssyncadd.s32 $0xFFFFC000  }
.LBB2_4:
0x52: {  	[tilespmem:s20], [sflag:$0x2] =	stream.indirect.gather [hbm4b:s4+s19], $0x80, s26, s19, $0xb8;
	[tilespmem:$0x1E800] =	vst v63  }
0x53: {  	s26 =	smov.u32 s25  }
0x54: {  	p0 =	sne.s32 s25, $0x4800;
	s25 =	sadd.s32 $0x400, s25;
	_ =	swait.ge [sflag:s21], $0x4000  }
0x55: {  	s26 =	sshra.s32 s26, $0x2;
	[sflag:s21] =	ssyncset.done $0x0  }
0x56: {  	s28 =	sadd.s32 $0x1400, s26;
	[sflag:s21] =	ssyncadd.s32 $0xFFFFC000  }
0x57: {  	[spmem:s1] =	stream.indirect.scatter.add.f32 [tilespmem:s16], [sflag:$0x3], $0x80, s28, s19, $0xb8;
	[tilespmem:$0x1E800] =	vst v63  }
0x58: {  	_ =	swait.ge [sflag:s17], $0x4000  }
0x59: {  	[sflag:s17] =	ssyncset.done $0x0  }
0x5a: {  	s28 =	sadd.s32 $0x100, s26;
	[sflag:s17] =	ssyncadd.s32 $0xFFFFC000  }
0x5b: {  	[tilespmem:s16], [sflag:$0x1] =	stream.indirect.gather [hbm4b:s4+s19], $0x80, s28, s19, $0xb8;
	[tilespmem:$0x1E800] =	vst v63  }
0x5c: {  	_ =	swait.ge [sflag:s22], $0x4000  }
0x5d: {  	[sflag:s22] =	ssyncset.done $0x0  }
.Ltmp1:
0x5e: {  	s28 =	sadd.s32 $0x1480, s26;
	[sflag:s22] =	ssyncadd.s32 $0xFFFFC000;
	(pc) =	sbr.rel @p0 .LBB2_4-.Ltmp1, $4  }
0x5f: {  	[spmem:s1] =	stream.indirect.scatter.add.f32 [tilespmem:s20], [sflag:$0x3], $0x80, s28, s19, $0xb8;
	[tilespmem:$0x1E800] =	vst v63  }
0x60: {  	_ =	swait.ge [sflag:s17], $0x4000  }
0x61: {  	[sflag:s17] =	ssyncset.done $0x0  }
0x62: {  	s26 =	sadd.s32 $0x180, s26;
	[sflag:s17] =	ssyncadd.s32 $0xFFFFC000  }
0x63: {  	[tilespmem:s20], [sflag:$0x2] =	stream.indirect.gather [hbm4b:s4+s19], $0x80, s26, s19, $0xb8;
	[tilespmem:$0x1E800] =	vst v63  }
0x64: {  	_ =	swait.ge [sflag:s21], $0x4000  }
0x65: {  	[sflag:s21] =	ssyncset.done $0x0  }
0x66: {  	[sflag:s21] =	ssyncadd.s32 $0xFFFFC000  }
0x67: {  	[spmem:s1] =	stream.indirect.scatter.add.f32 [tilespmem:s16], [sflag:$0x3], $0x80, s23, s19, $0xb8;
	[tilespmem:$0x1E800] =	vst v63  }
0x68: {  	_ =	swait.ge [sflag:s17], $0x4000  }
0x69: {  	[sflag:s17] =	ssyncset.done $0x0  }
0x6a: {  	[sflag:s17] =	ssyncadd.s32 $0xFFFFC000  }
0x6b: {  	_ =	swait.ge [sflag:s22], $0x4000  }
0x6c: {  	[sflag:s22] =	ssyncset.done $0x0  }
0x6d: {  	[sflag:s22] =	ssyncadd.s32 $0xFFFFC000  }
0x6e: {  	[spmem:s1] =	stream.indirect.scatter.add.f32 [tilespmem:s20], [sflag:$0x3], $0x80, s24, s19, $0xb8;
	[tilespmem:$0x1E800] =	vst v63  }
0x6f: {  	_ =	swait.ge [sflag:s17], $0x4000  }
0x70: {  	[sflag:s17] =	ssyncset.done $0x0  }
0x71: {  	s25 =	simm.s32 $0x0;
	[sflag:s17] =	ssyncadd.s32 $0xFFFFC000  }
0x72: {  	[tilespmem:s25], [sflag:$0x3] =	stream.linear.gather [hbm4b:s12+s25], $0x1400, $0x38;
	[tilespmem:$0x1E800] =	vst v63  }
0x73: {  	_ =	swait.ge [sflag:s17], $0x1400  }
0x74: {  	[sflag:s17] =	ssyncset.done $0x0  }
0x75: {  	[sflag:s17] =	ssyncadd.s32 $0xFFFFEC00  }
0x76: {  	[tilespmem:s18], [sflag:$0x3] =	stream.linear.gather [hbm4b:s13+s25], $0x1400, $0x38;
	[tilespmem:$0x1E800] =	vst v63  }
0x77: {  	_ =	swait.ge [sflag:s17], $0x1400  }
0x78: {  	[sflag:s17] =	ssyncset.done $0x0  }
0x79: {  	[sflag:s17] =	ssyncadd.s32 $0xFFFFEC00  }
0x7a: {  	[tilespmem:s16], [sflag:$0x1] =	stream.indirect.gather [hbm4b:s4+s19], $0x80, s25, s19, $0xb8;
	[tilespmem:$0x1E800] =	vst v63  }
0x7b: {  	_ = 	snop  }
0x7c: {  	[tilespmem:s20], [sflag:$0x2] =	stream.indirect.gather [hbm4b:s4+s19], $0x80, s19, s19, $0xb8;
	[tilespmem:$0x1E800] =	vst v63  }
0x7d: {  	_ =	swait.ge [sflag:s21], $0x4000  }
0x7e: {  	[sflag:s21] =	ssyncset.done $0x0  }
0x7f: {  	s29 =	simm.s32 $0x1400;
	[sflag:s21] =	ssyncadd.s32 $0xFFFFC000  }
0x80: {  	[spmem:s1] =	stream.indirect.scatter.add.f32 [tilespmem:s16], [sflag:$0x3], $0x80, s29, s19, $0xb8;
	[tilespmem:$0x1E800] =	vst v63  }
0x81: {  	_ =	swait.ge [sflag:s17], $0x4000  }
0x82: {  	[sflag:s17] =	ssyncset.done $0x0  }
0x83: {  	s30 =	simm.s32 $0x100;
	[sflag:s17] =	ssyncadd.s32 $0xFFFFC000  }
0x84: {  	[tilespmem:s16], [sflag:$0x1] =	stream.indirect.gather [hbm4b:s4+s19], $0x80, s30, s19, $0xb8;
	[tilespmem:$0x1E800] =	vst v63  }
0x85: {  	_ =	swait.ge [sflag:s22], $0x4000  }
0x86: {  	[sflag:s22] =	ssyncset.done $0x0  }
0x87: {  	s31 =	simm.s32 $0x1480;
	[sflag:s22] =	ssyncadd.s32 $0xFFFFC000  }
0x88: {  	[spmem:s1] =	stream.indirect.scatter.add.f32 [tilespmem:s20], [sflag:$0x3], $0x80, s31, s19, $0xb8;
	[tilespmem:$0x1E800] =	vst v63  }
0x89: {  	_ =	swait.ge [sflag:s17], $0x4000  }
0x8a: {  	[sflag:s17] =	ssyncset.done $0x0  }
0x8b: {  	s26 =	simm.s32 $0x180;
	s25 =	simm.s32 $0x400;
	[sflag:s17] =	ssyncadd.s32 $0xFFFFC000  }
.LBB2_6:
0x8c: {  	[tilespmem:s20], [sflag:$0x2] =	stream.indirect.gather [hbm4b:s4+s19], $0x80, s26, s19, $0xb8;
	[tilespmem:$0x1E800] =	vst v63  }
0x8d: {  	s26 =	smov.u32 s25  }
0x8e: {  	p0 =	sne.s32 s25, $0x4800;
	s25 =	sadd.s32 $0x400, s25;
	_ =	swait.ge [sflag:s21], $0x4000  }
0x8f: {  	s26 =	sshra.s32 s26, $0x2;
	[sflag:s21] =	ssyncset.done $0x0  }
0x90: {  	s28 =	sadd.s32 $0x1400, s26;
	[sflag:s21] =	ssyncadd.s32 $0xFFFFC000  }
0x91: {  	[spmem:s1] =	stream.indirect.scatter.add.f32 [tilespmem:s16], [sflag:$0x3], $0x80, s28, s19, $0xb8;
	[tilespmem:$0x1E800] =	vst v63  }
0x92: {  	_ =	swait.ge [sflag:s17], $0x4000  }
0x93: {  	[sflag:s17] =	ssyncset.done $0x0  }
0x94: {  	s28 =	sadd.s32 $0x100, s26;
	[sflag:s17] =	ssyncadd.s32 $0xFFFFC000  }
0x95: {  	[tilespmem:s16], [sflag:$0x1] =	stream.indirect.gather [hbm4b:s4+s19], $0x80, s28, s19, $0xb8;
	[tilespmem:$0x1E800] =	vst v63  }
0x96: {  	_ =	swait.ge [sflag:s22], $0x4000  }
0x97: {  	[sflag:s22] =	ssyncset.done $0x0  }
.Ltmp2:
0x98: {  	s28 =	sadd.s32 $0x1480, s26;
	[sflag:s22] =	ssyncadd.s32 $0xFFFFC000;
	(pc) =	sbr.rel @p0 .LBB2_6-.Ltmp2, $4  }
0x99: {  	[spmem:s1] =	stream.indirect.scatter.add.f32 [tilespmem:s20], [sflag:$0x3], $0x80, s28, s19, $0xb8;
	[tilespmem:$0x1E800] =	vst v63  }
0x9a: {  	_ =	swait.ge [sflag:s17], $0x4000  }
0x9b: {  	[sflag:s17] =	ssyncset.done $0x0  }
0x9c: {  	s26 =	sadd.s32 $0x180, s26;
	[sflag:s17] =	ssyncadd.s32 $0xFFFFC000  }
0x9d: {  	[tilespmem:s20], [sflag:$0x2] =	stream.indirect.gather [hbm4b:s4+s19], $0x80, s26, s19, $0xb8;
	[tilespmem:$0x1E800] =	vst v63  }
0x9e: {  	_ =	swait.ge [sflag:s21], $0x4000  }
0x9f: {  	[sflag:s21] =	ssyncset.done $0x0  }
0xa0: {  	[sflag:s21] =	ssyncadd.s32 $0xFFFFC000  }
0xa1: {  	[spmem:s1] =	stream.indirect.scatter.add.f32 [tilespmem:s16], [sflag:$0x3], $0x80, s23, s19, $0xb8;
	[tilespmem:$0x1E800] =	vst v63  }
0xa2: {  	_ =	swait.ge [sflag:s17], $0x4000  }
0xa3: {  	[sflag:s17] =	ssyncset.done $0x0  }
0xa4: {  	[sflag:s17] =	ssyncadd.s32 $0xFFFFC000  }
0xa5: {  	_ =	swait.ge [sflag:s22], $0x4000  }
0xa6: {  	[sflag:s22] =	ssyncset.done $0x0  }
0xa7: {  	[sflag:s22] =	ssyncadd.s32 $0xFFFFC000  }
0xa8: {  	[spmem:s1] =	stream.indirect.scatter.add.f32 [tilespmem:s20], [sflag:$0x3], $0x80, s24, s19, $0xb8;
	[tilespmem:$0x1E800] =	vst v63  }
0xa9: {  	_ =	swait.ge [sflag:s17], $0x4000  }
0xaa: {  	s25 =	sshll.u32 s2, $0x6;
	s3 =	sadd.s32 $0x1, s3;
	[sflag:s17] =	ssyncset.done $0x0  }
0xab: {  	s31 =	sshrl.u32 s5, $0x3;
	p0 =	sne.s32 s3, s15;
	[sflag:s17] =	ssyncadd.s32 $0xFFFFC000  }
.Ltmp3:
0xac: {  	s25 =	sor.u32 $0x1C03, s25;
	[bflag:$0x0] =	sbarrier.arrive $0xFFFF;
	(pc) =	sbr.rel @p0 .LBB2_1-.Ltmp3, $4  }
0xad: {  	[hbm:s14], [sflag:s25] =	dma.local [spmem:s31], $0x2800  }
0xae: {  	_ =	swait.ge [sflag:s17], $0x2800  }
0xaf: {  	[sflag:s17] =	ssyncset.done $0x0  }
0xb0: {  	[sflag:s17] =	ssyncadd.s32 $0xFFFFD800  }
0xb1: {  	_ =	sfence.sel $0x180000  }
0xb2: {  	[bflag:$0x0] =	sbarrier.arrive $0xFFFF  }
0xb3: {  	p0 =	sne.s32 s2, $0x0;
	_ =	strace $0x9000004A  }
0xb4: {  	s0 =	sadd.s32 @!p0 $0x100000, s0;
	[bflag:$0x2] =	sbarrier.arrive $0xFFFF  }
0xb5: {  	[sflag:s0] =	ssyncadd.tile.s32 @!p0 $0x1;
	_ =	shalt  }
.Lfunc_end2:
_tile_overlayer_lowered:
.L_overlay_start_2:
0xb6: {  	(tag) =	ssettag $0x2  }
0xb7: {  	s0 =	rddreg [dreg:$0x0];
	s2 =	stileid.u32  }
0xb8: {  	s1 =	rddreg [dreg:$0x1];
	p0 =	sne.s32 s2, $0x0  }
0xb9: {  	s3 =	rddreg [dreg:$0x2];
	[bflag:$0x3] =	sbarrier.arrive $0xFFFF;
	s2 =	simm.s32 @!p0 $0x1C03  }
0xba: {  	[timem:s3], [sflag:s2] =	dma.local @!p0 [hbm:s0], s1  }
0xbb: {  	s0 =	simm.s32 @!p0 $0x3  }
0xbc: {  	_ =	swait.ge @!p0 [sflag:s0], s1  }
0xbd: {  	s1 =	ssub.s32 @!p0 $0x0, s1;
	[sflag:s0] =	ssyncset.done @!p0 $0x0  }
0xbe: {  	[sflag:s0] =	ssyncadd.s32 @!p0 s1  }
0xbf: {  	[bflag:$0x3] =	sbarrier.arrive $0xFFFF  }
0xc0: {  	_ =	shalt  }

// kernel: kernel.7.cloned.1.call-start
scs
__scs_entry_jumppad:
0x0: {  	(pc) =	sbr.rel $0x88, $3  }
0x1: {  	(tag) =	ssettag $0x0;
	lr =	simm.s32 $0x1  }
0x2: {  	[smem:$0x3F9D] =	sst lr;
	_ =	strace $0xD0000000  }
0x3: {  	_ = 	snop  }
0x4: {  	_ = 	snop  }
0x5: {  	_ = 	snop  }
0x6: {  	_ = 	snop  }
0x7: {  	_ = 	snop  }
__scs_overlays_trampoline_lowered:
0x8: {  	[smem:$0x3FAC] =	sst s0  }
0x9: {  	[smem:$0x3FAD] =	sst s1  }
0xa: {  	[smem:$0x3FAE] =	sst s2  }
0xb: {  	[smem:$0x3FAF] =	sst s3  }
0xc: {  	[smem:$0x3FB0] =	sst s4  }
0xd: {  	[smem:$0x3FB1] =	sst s5  }
0xe: {  	[smem:$0x3FB2] =	sst s6  }
0xf: {  	[smem:$0x3FB3] =	sst s7  }
0x10: {  	[smem:$0x3FB4] =	sst s8  }
0x11: {  	[smem:$0x3FB5] =	sst s9;
	s0 =	simm.s32 @!p0 $0x0  }
0x12: {  	s1 =	sld [smem:$0x3F9B];
	s0 =	simm.s32 @p0 $0x1  }
0x13: {  	[smem:$0x3FB6] =	sst s0;
	s0 =	simm.s32 @!p1 $0x0  }
0x14: {  	s2 =	sld [smem:$0x3F9A];
	s0 =	simm.s32 @p1 $0x1  }
0x15: {  	[smem:$0x3FB7] =	sst s0;
	s0 =	simm.s32 @!p2 $0x0  }
0x16: {  	s3 =	sld [smem:$0x3FDB];
	s0 =	simm.s32 @p2 $0x1  }
0x17: {  	s4 =	simm.s32 $0x1BF5;
	[smem:$0x3FB9] =	sst s0  }
0x18: {  	s0 =	sld [smem:$0x3F9C];
	_ =	swait.ge [sflag:s4], $0x0  }
0x19: {  	s7 =	sld [smem:$0x3F9D]  }
0x1a: {  	s8 =	sadd.s32 $0xFFFFE003, lr  }
0x1b: {  	s9 =	sadd.s32 $0xFFFFFEF7, lr;
	s5 =	simm.s32 $0xFFFFFFFF;
	p2 =	slt.u32 s8, $0xFFFFF086  }
0x1c: {  	p1 =	slt.u32 s9, $0xF7A;
	s5 =	simm.s32 @!p2 $0x0  }
0x1d: {  	s5 =	simm.s32 @p1 $0x1;
	p0 =	seq.s32 s7, s2  }
0x1e: {  	s7 =	smul.u32 @!p0 $0xF7A, s2;
	p2 =	seq.s32 @!p0 s5, $0x0  }
0x1f: {  	s9 =	smul.u32 $0xF7A, s1;
	s8 =	simm.s32 @!p0 $0x1BF5;
	p2 =	por !p2, p0  }
0x20: {  	[sflag:s8] =	ssyncset.s32 @!p0 $0xFFFFF086;
	s6 =	sadd.s32 @!p0 s3, s7;
	s7 =	simm.s32 @!p0 $0x108  }
0x21: {  	s3 =	sadd.s32 s3, s9;
	s6 =	sadd.s32 @!p0 $0x88, s6;
	s7 =	simm.s32 @p2 $0x1082  }
0x22: {  	[simem:s7], [sflag:s8] =	dma.local @!p0 [hbm:s6], $0xF7A  }
0x23: {  	s9 =	sor.u32 $0xD0000000, s2;
	s6 =	simm.s32 $0x108;
	_ =	swait.ge @!p0 [sflag:s8], $0x0  }
0x24: {  	s3 =	sadd.s32 $0x88, s3;
	s6 =	simm.s32 @!p1 $0x1082;
	[sflag:s4] =	ssyncset.s32 $0xFFFFF086  }
0x25: {  	[simem:s6], [sflag:s4] =	dma.local [hbm:s3], $0xF7A  }
0x26: {  	[smem:$0x3F9D] =	sst s1;
	(tag) =	ssettag s2;
	_ =	strace s9  }
0x27: {  	s1 =	sld [smem:$0x3FAD]  }
0x28: {  	s2 =	sld [smem:$0x3FAE]  }
0x29: {  	s4 =	sld [smem:$0x3FB0]  }
0x2a: {  	p0 =	seq.s32 s5, $0x0;
	s5 =	sld [smem:$0x3FB1]  }
0x2b: {  	s6 =	sld [smem:$0x3FB2]  }
0x2c: {  	s7 =	sld [smem:$0x3FB3]  }
0x2d: {  	s3 =	simm.s32 $0x108;
	s8 =	sld [smem:$0x3FB4]  }
0x2e: {  	s3 =	simm.s32 @!p0 $0x1082;
	s9 =	sld [smem:$0x3FB5]  }
0x2f: {  	lr =	sadd.s32 s0, s3;
	s0 =	sld [smem:$0x3FAC]  }
0x30: {  	s3 =	sld [smem:$0x3FAF]  }
0x31: {  	[smem:$0x3FB8] =	sst s10  }
0x32: {  	s10 =	sld [smem:$0x3FB6];
	_ =	sdelay $0x3  }
0x33: {  	p0 =	seq.s32 s10, $0x1;
	s10 =	sld [smem:$0x3FB8];
	_ =	sdelay $0x3  }
0x34: {  	[smem:$0x3FB8] =	sst s10  }
0x35: {  	s10 =	sld [smem:$0x3FB7];
	_ =	sdelay $0x3  }
0x36: {  	p1 =	seq.s32 s10, $0x1;
	s10 =	sld [smem:$0x3FB8];
	_ =	sdelay $0x3  }
0x37: {  	[smem:$0x3FB8] =	sst s10  }
0x38: {  	s10 =	sld [smem:$0x3FB9]  }
0x39: {  	_ = 	snop;
	(pc) =	sbr.ind lr, $3  }
0x3a: {  	_ = 	snop  }
0x3b: {  	_ = 	snop  }
0x3c: {  	p2 =	seq.s32 s10, $0x1;
	s10 =	sld [smem:$0x3FB8]  }
0x3d: {  	_ =	shalt  }
0x3e: {  	_ =	shalt  }
0x3f: {  	_ =	shalt  }
0x40: {  	_ =	shalt  }
0x41: {  	_ =	shalt  }
0x42: {  	_ =	shalt  }
0x43: {  	_ =	shalt  }
0x44: {  	_ =	shalt  }
0x45: {  	_ =	shalt  }
0x46: {  	_ =	shalt  }
0x47: {  	_ =	shalt  }
0x48: {  	_ =	shalt  }
0x49: {  	_ =	shalt  }
0x4a: {  	_ =	shalt  }
0x4b: {  	_ =	shalt  }
0x4c: {  	_ =	shalt  }
0x4d: {  	_ =	shalt  }
0x4e: {  	_ =	shalt  }
0x4f: {  	_ =	shalt  }
0x50: {  	_ =	shalt  }
0x51: {  	_ =	shalt  }
0x52: {  	_ =	shalt  }
0x53: {  	_ =	shalt  }
0x54: {  	_ =	shalt  }
0x55: {  	_ =	shalt  }
0x56: {  	_ =	shalt  }
0x57: {  	_ =	shalt  }
0x58: {  	_ =	shalt  }
0x59: {  	_ =	shalt  }
0x5a: {  	_ =	shalt  }
0x5b: {  	_ =	shalt  }
0x5c: {  	_ =	shalt  }
0x5d: {  	_ =	shalt  }
0x5e: {  	_ =	shalt  }
0x5f: {  	_ =	shalt  }
0x60: {  	_ =	shalt  }
0x61: {  	_ =	shalt  }
0x62: {  	_ =	shalt  }
0x63: {  	_ =	shalt  }
0x64: {  	_ =	shalt  }
0x65: {  	_ =	shalt  }
0x66: {  	_ =	shalt  }
0x67: {  	_ =	shalt  }
0x68: {  	_ =	shalt  }
0x69: {  	_ =	shalt  }
0x6a: {  	_ =	shalt  }
0x6b: {  	_ =	shalt  }
0x6c: {  	_ =	shalt  }
0x6d: {  	_ =	shalt  }
0x6e: {  	_ =	shalt  }
0x6f: {  	_ =	shalt  }
0x70: {  	_ =	shalt  }
0x71: {  	_ =	shalt  }
0x72: {  	_ =	shalt  }
0x73: {  	_ =	shalt  }
0x74: {  	_ =	shalt  }
0x75: {  	_ =	shalt  }
0x76: {  	_ =	shalt  }
0x77: {  	_ =	shalt  }
0x78: {  	_ =	shalt  }
0x79: {  	_ =	shalt  }
0x7a: {  	_ =	shalt  }
0x7b: {  	_ =	shalt  }
0x7c: {  	_ =	shalt  }
0x7d: {  	_ =	shalt  }
0x7e: {  	_ =	shalt  }
0x7f: {  	_ =	shalt  }
0x80: {  	_ =	shalt  }
0x81: {  	_ =	shalt  }
0x82: {  	_ =	shalt  }
0x83: {  	_ =	shalt  }
0x84: {  	_ =	shalt  }
0x85: {  	_ =	shalt  }
0x86: {  	_ =	shalt  }
0x87: {  	_ =	shalt  }
.Lfunc_end0:
.L_simem_size_0:
called_computation_lowered:
.L_overlay_start_0:
0x88: {  	s2 =	sld [smem:$0x3FD9]  }
0x89: {  	s3 =	sld [smem:$0x3FFE];
	_ =	sdelay $0x1  }
0x8a: {  	s1 =	srdreg.scid  }
0x8b: {  	s0 =	sand.u32 $0x1, s1  }
0x8c: {  	s17 =	sshll.u32 s0, $0xA;
	s2 =	sadd.s32 s3, s2  }
0x8d: {  	s2 =	sadd.s32 s2, s17  }
0x8e: {  	[smem:$0x3FC4] =	sst s2  }
0x8f: {  	_ = 	snop  }
0x90: {  	s2 =	sld [smem:$0x3FD0];
	(tm) =	ssettm $0x1  }
0x91: {  	s18 =	sld [smem:$0x3FFB];
	_ =	sdelay $0x3  }
0x92: {  	_ =	strace s18  }
0x93: {  	s3 =	sld [smem:$0x3FFC];
	_ =	sdelay $0x3  }
0x94: {  	_ =	strace s3  }
0x95: {  	s3 =	sld [smem:$0x3FFD];
	_ =	sdelay $0x3  }
0x96: {  	_ =	strace s3  }
0x97: {  	_ =	strace $0x8FFFFFFF  }
0x98: {  	s19 =	sld [smem:$0x3FDB];
	_ =	sdelay $0x1  }
0x99: {  	s4 =	simm.s32 $_scs_section_size  }
0x9a: {  	s5 =	simm.s32 $_size__tile_overlayer_lowered;
	s6 =	simm.s32 $_tile_overlayer_lowered  }
0x9b: {  	s22 =	simm.s32 $0x1BFF;
	s21 =	sshll.u32 s6, $0x1;
	s3 =	sadd.s32 s4, s19  }
0x9c: {  	s7 =	simm.s32 $0x0;
	s20 =	sshll.u32 s5, $0x1;
	s5 =	sadd.s32 s21, s3  }
0x9d: {  	[timem:s7], [sflag:s22] =	dma.local [hbm:s5], s20  }
0x9e: {  	_ =	swait.ge [sflag:s22], s20  }
0x9f: {  	s4 =	ssub.s32 $0x0, s20;
	[sflag:s22] =	ssyncset.done $0x0  }
0xa0: {  	[sflag:s22] =	ssyncadd.s32 s4;
	_ =	sdelay $0x1  }
0xa1: {  	s23 =	simm.s32 $0x1B8B  }
0xa2: {  	_ =	swait.ge [sflag:s23], $0x1  }
0xa3: {  	[sflag:s23] =	ssyncset.done $0x0  }
0xa4: {  	s25 =	simm.s32 $0x1B8E;
	s24 =	sld [smem:$0x3FFE];
	[sflag:s23] =	ssyncadd.s32 $0xFFFFFFFF  }
0xa5: {  	s26 =	simm.s32 $execute0_lowered;
	[smem:$0x3FD2] =	sst s25  }
0xa6: {  	s5 =	sshll.u32 s26, $0x1;
	_ =	strace $0x80000046;
	[dreg:$0x1] =	wrdreg $0xFFFFFFFF  }
0xa7: {  	s28 =	simm.s32 $_size_execute0_lowered;
	s3 =	sadd.s32 s3, s5;
	[dreg:$0x0] =	wrdreg $0x0  }
0xa8: {  	s5 =	sshll.u32 s28, $0x1;
	[dreg:$0x2] =	wrdreg s3  }
0xa9: {  	[dreg:$0x3] =	wrdreg s5  }
0xaa: {  	[dreg:$0x4] =	wrdreg $0xC0  }
0xab: {  	_ =	task [dreg:s7], $0x5FFFF  }
0xac: {  	[dreg:$0x1] =	wrdreg $0xFFFFFFFF  }
0xad: {  	[dreg:$0x0] =	wrdreg $0x60  }
0xae: {  	[dreg:$0x2] =	wrdreg s24  }
0xaf: {  	[dreg:$0x3] =	wrdreg s2  }
0xb0: {  	[dreg:$0x4] =	wrdreg $0x9  }
0xb1: {  	_ =	task.clear_ibuf [dreg:s7], $0x5FFFF;
	_ =	strace $0x90000046  }
0xb2: {  	s29 =	simm.s32 $0x9;
	_ =	strace $0x80000048  }
0xb3: {  	_ =	swait.ge [sflag:s29], $0x1  }
0xb4: {  	[sflag:s29] =	ssyncadd.s32 $0xFFFFFFFF  }
0xb5: {  	_ =	strace $0x90000048  }
0xb6: {  	_ =	sfence  }
0xb7: {  	s30 =	sld [smem:$0x0];
	_ =	sdelay $0x2  }
0xb8: {  	s31 =	sshll.u32 s1, $0xD;
	s1 =	sshrl.u32 s1, $0x2  }
0xb9: {  	s3 =	sand.u32 $0x4000, s31;
	s1 =	sadd.s32 s1, s30  }
0xba: {  	s0 =	sor.u32 s3, s0;
	s1 =	sshll.u32 s1, $0x11  }
0xbb: {  	s0 =	sor.u32 s1, s0  }
0xbc: {  	s0 =	sadd.s32 $0x8F2B, s0  }
0xbd: {  	[sflag:s0] =	ssyncadd.remote.s32 $0x1  }
0xbe: {  	_ =	sfence.sel $0xFFFF  }
0xbf: {  	[dreg:$0x0] =	wrdreg $0xFFFFFFFF;
	(pc) =	sbr.abs _section_cstart, $3  }
0xc0: {  	[dreg:$0x1] =	wrdreg $0xFFFFFFFF  }
0xc1: {  	_ =	task.clear_ibuf [dreg:s7], $0x2FFFF;
	_ =	strace $0x9FFFFFFF  }
0xc2: {  	(tm) =	ssettm $0x7FFFFFFF  }
0xc3: {  	_ =	shalt  }
tec
execute0_lowered:
.L_overlay_start_1:
0x0: {  	(tag) =	ssettag $0x1  }
0x1: {  	s3 =	rddreg [dreg:$0x0]  }
0x2: {  	s1 =	srdreg.scid;
	s0 =	stileid.u32  }
0x3: {  	s6 =	rddreg [dreg:$0x1];
	s2 =	simm.s32 $0x0;
	s10 =	simm.s32 $0x7800  }
0x4: {  	s11 =	simm.s32 $0x2800;
	s12 =	simm.s32 $0x80;
	s13 =	simm.s32 $0x400  }
0x5: {  	s4 =	sand.u32 $0x1, s1;
	s5 =	sshll.u32 s0, $0x1;
	s1 =	rddreg [dreg:$0x2]  }
0x6: {  	s14 =	simm.s32 $0x0;
	[smem:$0x7FF] =	sst s2;
	s5 =	sor.u32 s4, s5  }
0x7: {  	s8 =	sshrl.u32 s0, $0x2;
	s4 =	ssub.s32 $0x2, s4;
	s7 =	smul.u32 $0x500, s5  }
0x8: {  	s8 =	smul.u32 $0x14000, s8;
	_ =	strace $0x80000047;
	s5 =	sshll.u32 s5, $0x7  }
0x9: {  	s9 =	sshrl.u32 s4, $0x1;
	s5 =	sand.u32 $0x380, s5;
	s7 =	sadd.s32 s7, s3  }
0xa: {  	s9 =	ssub.s32 s4, s9;
	s30 =	sor.u32 s8, s5;
	s3 =	sadd.s32 $0xBC00, s7  }
0xb: {  	s5 =	sshrl.u32 s30, $0x3;
	s8 =	sadd.s32 $0x50000, s30;
	s4 =	sadd.s32 $0x1C00, s7  }
0xc: {  	s7 =	smax.u32 s9, $0x1;
	s9 =	simm.s32 $0x1;
	s31 =	sshrl.u32 s8, $0x3  }
0xd: {  	v0 =	vimm.f32 $0.0e+00;
	v1 =	vimm.f32 $1.000000000e+00;
	s5 =	sadd.s32 s6, s5;
	s8 =	simm.s32 $0x5000;
	s6 =	sadd.s32 s6, s31  }
.LBB2_1:
0xe: {  	s15 =	simm.s32 $0x40;
	s16 =	simm.s32 $0x0  }
.LBB2_2:
0xf: {  	p0 =	sne.s32 s15, $0x9FC0;
	[tilespmem:s16+$0x0] =	vst v0;
	s17 =	smov.u32 s15;
	s15 =	sadd.s32 $0x40, s15  }
.Ltmp0:
0x10: {  	[tilespmem:s16+$0x2800] =	vst v0;
	(pc) =	sbr.rel @p0 .LBB2_2-.Ltmp0, $2  }
0x11: {  	_ =	sdelay $0x2  }
0x12: {  	s16 =	sshra.s32 s17, $0x2  }
0x13: {  	[tilespmem:s16+$0x0] =	vst v0  }
0x14: {  	[tilespmem:s16+$0x2800] =	vst v0;
	s15 =	simm.s32 $0x0  }
0x15: {  	[tilespmem:s8], [sflag:$0x1] =	stream.linear.gather [hbm4b:s3+s15], $0x2800, $0x38;
	[tilespmem:$0xA000] =	vst v63  }
0x16: {  	_ =	swait.ge [sflag:s9], $0x2800  }
0x17: {  	[sflag:s9] =	ssyncset.done $0x0  }
0x18: {  	[sflag:s9] =	ssyncadd.s32 $0xFFFFD800  }
0x19: {  	[tilespmem:s10], [sflag:$0x1] =	stream.linear.gather [hbm4b:s4+s15], $0x2800, $0x38;
	[tilespmem:$0xA000] =	vst v63  }
0x1a: {  	_ =	swait.ge [sflag:s9], $0x2800  }
0x1b: {  	[sflag:s9] =	ssyncset.done $0x0  }
0x1c: {  	[sflag:s9] =	ssyncadd.s32 $0xFFFFD800  }
.LBB2_4:
0x1d: {  	s16 =	sshra.s32 s15, $0x2  }
0x1e: {  	v2 =	vld [tilespmem:s16+$0x5000];
	_ =	sdelay $0x7  }
0x1f: {  	[tilespmem:v2+s2+$0x0] =	vst.idx.add.f32.msk $0xffff, v1  }
0x20: {  	v2 =	vld [tilespmem:s16+$0x7800];
	_ =	sdelay $0x7  }
0x21: {  	[tilespmem:v2+s11+$0x0] =	vst.idx.add.f32.msk $0xffff, v1  }
0x22: {  	v2 =	vld [tilespmem:s16+$0x5010];
	_ =	sdelay $0x7  }
0x23: {  	[tilespmem:v2+s2+$0x0] =	vst.idx.add.f32.msk $0xffff, v1  }
0x24: {  	v2 =	vld [tilespmem:s16+$0x7810];
	_ =	sdelay $0x7  }
0x25: {  	[tilespmem:v2+s11+$0x0] =	vst.idx.add.f32.msk $0xffff, v1  }
0x26: {  	v2 =	vld [tilespmem:s16+$0x5020];
	_ =	sdelay $0x7  }
0x27: {  	[tilespmem:v2+s2+$0x0] =	vst.idx.add.f32.msk $0xffff, v1  }
0x28: {  	v2 =	vld [tilespmem:s16+$0x7820];
	_ =	sdelay $0x7  }
0x29: {  	[tilespmem:v2+s11+$0x0] =	vst.idx.add.f32.msk $0xffff, v1  }
0x2a: {  	v2 =	vld [tilespmem:s16+$0x5030];
	_ =	sdelay $0x7  }
0x2b: {  	[tilespmem:v2+s2+$0x0] =	vst.idx.add.f32.msk $0xffff, v1  }
0x2c: {  	v2 =	vld [tilespmem:s16+$0x7830];
	_ =	sdelay $0x7  }
0x2d: {  	[tilespmem:v2+s11+$0x0] =	vst.idx.add.f32.msk $0xffff, v1  }
0x2e: {  	v2 =	vld [tilespmem:s16+$0x5040];
	_ =	sdelay $0x7  }
0x2f: {  	[tilespmem:v2+s2+$0x0] =	vst.idx.add.f32.msk $0xffff, v1  }
0x30: {  	v2 =	vld [tilespmem:s16+$0x7840];
	_ =	sdelay $0x7  }
0x31: {  	[tilespmem:v2+s11+$0x0] =	vst.idx.add.f32.msk $0xffff, v1  }
0x32: {  	v2 =	vld [tilespmem:s16+$0x5050];
	_ =	sdelay $0x7  }
0x33: {  	[tilespmem:v2+s2+$0x0] =	vst.idx.add.f32.msk $0xffff, v1  }
0x34: {  	v2 =	vld [tilespmem:s16+$0x7850];
	_ =	sdelay $0x7  }
0x35: {  	[tilespmem:v2+s11+$0x0] =	vst.idx.add.f32.msk $0xffff, v1  }
0x36: {  	v2 =	vld [tilespmem:s16+$0x5060];
	_ =	sdelay $0x7  }
0x37: {  	[tilespmem:v2+s2+$0x0] =	vst.idx.add.f32.msk $0xffff, v1  }
0x38: {  	v2 =	vld [tilespmem:s16+$0x7860];
	_ =	sdelay $0x7  }
0x39: {  	[tilespmem:v2+s11+$0x0] =	vst.idx.add.f32.msk $0xffff, v1  }
0x3a: {  	v2 =	vld [tilespmem:s16+$0x5070];
	_ =	sdelay $0x7  }
0x3b: {  	[tilespmem:v2+s2+$0x0] =	vst.idx.add.f32.msk $0xffff, v1  }
0x3c: {  	v2 =	vld [tilespmem:s16+$0x7870];
	_ =	sdelay $0x2  }
0x3d: {  	p0 =	sne.s32 s15, $0x9E00  }
.Ltmp1:
0x3e: {  	_ = 	snop;
	(pc) =	sbr.rel @p0 .LBB2_4-.Ltmp1, $2  }
0x3f: {  	_ =	sdelay $0x2  }
0x40: {  	s15 =	sadd.s32 $0x200, s15;
	[tilespmem:v2+s11+$0x0] =	vst.idx.add.f32.msk $0xffff, v1  }
0x41: {  	[hbm4b:s5+s12] =	stream.strided.scatter [tilespmem:s2], [sflag:$0x1], $0x2800, s13, s12, $0x38;
	[tilespmem:$0xA000] =	vst v63  }
0x42: {  	s14 =	sadd.s32 $0x1, s14;
	_ =	swait.ge [sflag:s9], $0x2800  }
0x43: {  	p0 =	sne.s32 s14, s7;
	[sflag:s9] =	ssyncset.done $0x0  }
.Ltmp2:
0x44: {  	[sflag:s9] =	ssyncadd.s32 $0xFFFFD800;
	(pc) =	sbr.rel @p0 .LBB2_1-.Ltmp2, $4  }
0x45: {  	[hbm4b:s6+s12] =	stream.strided.scatter [tilespmem:s11], [sflag:$0x1], $0x2800, s13, s12, $0x38;
	[tilespmem:$0xA000] =	vst v63  }
0x46: {  	_ =	swait.ge [sflag:s9], $0x2800  }
0x47: {  	[sflag:s9] =	ssyncset.done $0x0  }
0x48: {  	[sflag:s9] =	ssyncadd.s32 $0xFFFFD800  }
0x49: {  	_ =	sfence.sel $0x180000  }
0x4a: {  	[bflag:$0x0] =	sbarrier.arrive $0xFFFF  }
0x4b: {  	p0 =	sne.s32 s0, $0x0;
	_ =	strace $0x90000047  }
0x4c: {  	s0 =	sadd.s32 @!p0 $0x100000, s1;
	[bflag:$0x2] =	sbarrier.arrive $0xFFFF  }
0x4d: {  	[sflag:s0] =	ssyncadd.tile.s32 @!p0 $0x1;
	_ =	shalt  }
.Lfunc_end2:
_tile_overlayer_lowered:
.L_overlay_start_2:
0x4e: {  	(tag) =	ssettag $0x2  }
0x4f: {  	s0 =	rddreg [dreg:$0x0];
	s2 =	stileid.u32  }
0x50: {  	s1 =	rddreg [dreg:$0x1];
	p0 =	sne.s32 s2, $0x0  }
0x51: {  	s3 =	rddreg [dreg:$0x2];
	[bflag:$0x3] =	sbarrier.arrive $0xFFFF;
	s2 =	simm.s32 @!p0 $0x1C01  }
0x52: {  	[timem:s3], [sflag:s2] =	dma.local @!p0 [hbm:s0], s1  }
0x53: {  	s0 =	simm.s32 @!p0 $0x1  }
0x54: {  	_ =	swait.ge @!p0 [sflag:s0], s1  }
0x55: {  	s1 =	ssub.s32 @!p0 $0x0, s1;
	[sflag:s0] =	ssyncset.done @!p0 $0x0  }
0x56: {  	[sflag:s0] =	ssyncadd.s32 @!p0 s1  }
0x57: {  	[bflag:$0x3] =	sbarrier.arrive $0xFFFF  }
0x58: {  	_ =	shalt  }

</sc_bundles>
